<compile_context>
chip_gen: v7x
topology: tpu7x:2x2x1
jax: 0.10.2.dev20260603
libtpu: 0.0.44.dev20260713+nightly
codegen_flags: <defaults>
</compile_context>

<pallas_src>
import functools

import jax
import jax.numpy as jnp
from jax import lax
from jax.experimental import pallas as pl
from jax.experimental.pallas import tpu as pltpu
from jax.experimental.pallas import tpu_sc as plsc

B = 16384
K = 5
D = 32
N = B * (1 + K)
NC = 2
NS = 16
NW = NC * NS
CHUNK = 128
N_CH = N // (NW * CHUNK)
ROWS = N // CHUNK

V = 1000000
TBLK = 8192
TGRID = (V + TBLK - 1) // TBLK
PACKED_ROWS = TGRID * (TBLK // 4)

TWO_PI = 6.283185307179586
_C0 = 0.9999994436787928
_C1 = -0.49999558165605595
_C2 = 0.04166103279014615
_C3 = -0.0013862747315839738
_C4 = 2.4253192495694853e-05
_C5 = -2.2193949944515623e-07


def _bf16_rne_bits(x):
    u = lax.bitcast_convert_type(x, jnp.int32)
    return u + jnp.int32(0x7FFF) + (lax.shift_right_logical(u, 16) & 1)


def _tr_body(aw_ref, pw_ref, av_ref, pv_ref, ou_ref, ov_ref):
    for aref, pref, oref in ((aw_ref, pw_ref, ou_ref),
                             (av_ref, pv_ref, ov_ref)):
        ra = _bf16_rne_bits(aref[...])
        rp = _bf16_rne_bits(pref[...])
        packed = (rp & jnp.int32(-65536)) | lax.shift_right_logical(ra, 16)
        pieces = [jnp.swapaxes(packed[:, 512 * c:512 * (c + 1)], 0, 1)
                  for c in range(TBLK // 512)]
        oref[...] = jnp.concatenate(
            [jnp.concatenate(pieces[4 * s:4 * s + 4], axis=1)
             for s in range(TBLK // 2048)], axis=0)


_tc_repack = pl.pallas_call(
    _tr_body,
    grid=(TGRID,),
    in_specs=[pl.BlockSpec((D, TBLK), lambda g: (0, g)) for _ in range(4)],
    out_specs=[pl.BlockSpec((TBLK // 4, 128), lambda g: (g, 0)) for _ in range(2)],
    out_shape=[jax.ShapeDtypeStruct((PACKED_ROWS, 128), jnp.int32)
               for _ in range(2)],
)


def _sc_body(u_hbm, ou_hbm, v_hbm, ov_hbm, pku_hbm, pkv_hbm,
             out_hbm, idx_u, off_u, idx_v, off_v,
             bu0, bv0, bu1, bv1, sc_out, sem0, sem1):
    wid = lax.axis_index("s") * NC + lax.axis_index("c")
    base = wid * N_CH
    pltpu.sync_copy(u_hbm.at[pl.ds(base, N_CH)], idx_u)
    pltpu.sync_copy(ou_hbm.at[pl.ds(base, N_CH)], off_u)
    pltpu.sync_copy(v_hbm.at[pl.ds(base, N_CH)], idx_v)
    pltpu.sync_copy(ov_hbm.at[pl.ds(base, N_CH)], off_v)

    def dmas(j, bufs, sem):
        bu, bv = bufs
        return (pltpu.make_async_copy(pku_hbm.at[idx_u.at[j]], bu, sem),
                pltpu.make_async_copy(pkv_hbm.at[idx_v.at[j]], bv, sem))

    def fire(j, bufs, sem):
        for c in dmas(j, bufs, sem):
            c.start()

    def drain(j, bufs, sem):
        for c in dmas(j, bufs, sem):
            c.wait()

    def compute(j, bufs):
        bu, bv = bufs

        def grp(g, carry2):
            rows = g * 16 + lax.iota(jnp.int32, 16)
            ou = off_u[j, pl.ds(g * 16, 16)]
            ov = off_v[j, pl.ds(g * 16, 16)]

            def dim_step(q, acc):
                for k in range(8):
                    dd = q * 8 + k
                    xu = plsc.load_gather(bu, [rows, ou + dd])
                    xv = plsc.load_gather(bv, [rows, ov + dd])
                    a1, p1 = plsc.unpack(plsc.bitcast(xu, jnp.bfloat16),
                                         format=plsc.PackFormat.INTERLEAVED)
                    a2, p2 = plsc.unpack(plsc.bitcast(xv, jnp.bfloat16),
                                         format=plsc.PackFormat.INTERLEAVED)
                    ax = jnp.abs(p1 - p2)
                    y = jnp.minimum(ax, TWO_PI - ax)
                    uu = y * y
                    cosv = _C0 + uu * (_C1 + uu * (_C2 + uu * (
                        _C3 + uu * (_C4 + uu * _C5))))
                    acc = acc + a1 * a2 * cosv
                return acc

            acc = lax.fori_loop(0, D // 8, dim_step,
                                jnp.zeros((16,), jnp.float32))
            sc_out[j, pl.ds(g * 16, 16)] = acc
            return carry2

        lax.fori_loop(0, CHUNK // 16, grp, 0)

    b0 = (bu0, bv0)
    b1 = (bu1, bv1)
    fire(0, b0, sem0)

    def pair_step(i, carry):
        j0 = 2 * i
        j1 = j0 + 1
        fire(j1, b1, sem1)
        drain(j0, b0, sem0)
        compute(j0, b0)

        @pl.when(j0 + 2 < N_CH)
        def _():
            fire(j0 + 2, b0, sem0)

        drain(j1, b1, sem1)
        compute(j1, b1)
        return carry

    lax.fori_loop(0, N_CH // 2, pair_step, 0)
    pltpu.sync_copy(sc_out, out_hbm.at[pl.ds(base, N_CH)])


_sc_scores = functools.partial(
    pl.kernel,
    out_type=jax.ShapeDtypeStruct((ROWS, CHUNK), jnp.float32),
    mesh=plsc.VectorSubcoreMesh(core_axis_name="c", subcore_axis_name="s",
                                num_cores=NC, num_subcores=NS),
    scratch_types=[
        pltpu.VMEM((N_CH, CHUNK), jnp.int32),
        pltpu.VMEM((N_CH, CHUNK), jnp.int32),
        pltpu.VMEM((N_CH, CHUNK), jnp.int32),
        pltpu.VMEM((N_CH, CHUNK), jnp.int32),
        pltpu.VMEM((CHUNK, 128), jnp.int32),
        pltpu.VMEM((CHUNK, 128), jnp.int32),
        pltpu.VMEM((CHUNK, 128), jnp.int32),
        pltpu.VMEM((CHUNK, 128), jnp.int32),
        pltpu.VMEM((N_CH, CHUNK), jnp.float32),
        pltpu.SemaphoreType.DMA,
        pltpu.SemaphoreType.DMA,
    ],
    compiler_params=pltpu.CompilerParams(needs_layout_passes=False),
)(_sc_body)


def _tc_loss_body(s_ref, o_ref):
    s = s_ref[...]
    row = lax.broadcasted_iota(jnp.int32, (ROWS, CHUNK), 0)
    z = jnp.where(row < B // CHUNK, s, -s)
    ls = jnp.minimum(z, 0.0) - jnp.log1p(jnp.exp(-jnp.abs(z)))
    o_ref[...] = jnp.reshape(-jnp.sum(ls) * (1.0 / B), (1, 1))


_tc_loss = pl.pallas_call(
    _tc_loss_body,
    out_shape=jax.ShapeDtypeStruct((1, 1), jnp.float32),
)


def kernel(pos_u, pos_v, neg_u, neg_v,
           word_amplitude_w, word_phase_w, word_amplitude_v, word_phase_v):
    u_all = jnp.concatenate(
        [pos_u.astype(jnp.int32), neg_u.reshape(-1).astype(jnp.int32)])
    v_all = jnp.concatenate(
        [pos_v.astype(jnp.int32), neg_v.reshape(-1).astype(jnp.int32)])
    u4 = ((u_all >> 11) * 512 + (u_all & 511)).reshape(ROWS, CHUNK)
    offu = (((u_all >> 9) & 3) * 32).reshape(ROWS, CHUNK)
    v4 = ((v_all >> 11) * 512 + (v_all & 511)).reshape(ROWS, CHUNK)
    offv = (((v_all >> 9) & 3) * 32).reshape(ROWS, CHUNK)
    pku, pkv = _tc_repack(word_amplitude_w.T, word_phase_w.T,
                          word_amplitude_v.T, word_phase_v.T)
    scores = _sc_scores(u4, offu, v4, offv, pku, pkv)
    return _tc_loss(scores)[0, 0]

# --- scband reference (transcript-rebuilt; emitter-appended) ---
"""Pipeline reference for scband-skip-gram-50672024158291 (READ-ONLY COPY).

The authoritative reference and input builder live on the scoring server;
editing this copy changes nothing except your own understanding.
"""

import jax, jax.numpy as jnp
import numpy as np

WORD_NUM = 1000000
EMB_DIM = 32
BATCH = 16384
NEG_K = 5

def setup_inputs(seed: int = 0) -> dict:
    key = jax.random.key(seed)
    k1, k2, k3, k4, k5, k6, k7, k8 = jax.random.split(key, 8)
    pos_u = jax.random.randint(k1, (BATCH,), 0, WORD_NUM, dtype=jnp.int64) if jax.config.jax_enable_x64 else jax.random.randint(k1, (BATCH,), 0, WORD_NUM).astype(jnp.int32)
    pos_v = jax.random.randint(k2, (BATCH,), 0, WORD_NUM).astype(pos_u.dtype)
    neg_u = jax.random.randint(k3, (BATCH, NEG_K), 0, WORD_NUM).astype(pos_u.dtype)
    neg_v = jax.random.randint(k4, (BATCH, NEG_K), 0, WORD_NUM).astype(pos_u.dtype)
    scale = 1.0 / EMB_DIM
    word_amplitude_w = jax.random.uniform(k5, (WORD_NUM, EMB_DIM), dtype=jnp.float32, minval=-scale, maxval=scale)
    word_phase_w = jax.random.uniform(k6, (WORD_NUM, EMB_DIM), dtype=jnp.float32, minval=0.0, maxval=2.0 * np.pi)
    word_amplitude_v = jax.random.uniform(k7, (WORD_NUM, EMB_DIM), dtype=jnp.float32, minval=-scale, maxval=scale)
    word_phase_v = jax.random.uniform(k8, (WORD_NUM, EMB_DIM), dtype=jnp.float32, minval=0.0, maxval=2.0 * np.pi)
    return {
        "pos_u": pos_u, "pos_v": pos_v, "neg_u": neg_u, "neg_v": neg_v,
        "word_amplitude_w": word_amplitude_w, "word_phase_w": word_phase_w,
        "word_amplitude_v": word_amplitude_v, "word_phase_v": word_phase_v,
    }

def reference(pos_u, pos_v, neg_u, neg_v, word_amplitude_w, word_phase_w, word_amplitude_v, word_phase_v):
    # Quantum-inspired skip-gram with negative sampling.
    # Complex embedding e = amplitude * exp(i * phase); score = Re(<e_u, conj(e_v)>)
    #   = sum_d amp_u * amp_v * cos(phase_u - phase_v)
    au = jnp.take(word_amplitude_w, pos_u, axis=0)
    pu = jnp.take(word_phase_w, pos_u, axis=0)
    av = jnp.take(word_amplitude_v, pos_v, axis=0)
    pv = jnp.take(word_phase_v, pos_v, axis=0)
    pos_score = jnp.sum(au * av * jnp.cos(pu - pv), axis=-1)  # [B]
    anu = jnp.take(word_amplitude_w, neg_u, axis=0)
    pnu = jnp.take(word_phase_w, neg_u, axis=0)
    anv = jnp.take(word_amplitude_v, neg_v, axis=0)
    pnv = jnp.take(word_phase_v, neg_v, axis=0)
    neg_score = jnp.sum(anu * anv * jnp.cos(pnu - pnv), axis=-1)  # [B, K]
    pos_loss = -jnp.mean(jax.nn.log_sigmoid(pos_score))
    neg_loss = -jnp.mean(jnp.sum(jax.nn.log_sigmoid(-neg_score), axis=-1))
    return pos_loss + neg_loss

if __name__ == "__main__":
    import jax
    _d = setup_inputs()
    print(jax.jit(kernel)(*tuple(_d.values())))

</pallas_src>

<mosaic_0001>
#map = affine_map<(d0, d1) -> (0, 0)>
module attributes {stable_mosaic.version = 14 : i64} {
  func.func @_sc_body(%arg0: i32, %arg1: i32, %arg2: memref<768x128xi32, #tpu.memory_space<hbm>>, %arg3: memref<768x128xi32, #tpu.memory_space<hbm>>, %arg4: memref<768x128xi32, #tpu.memory_space<hbm>>, %arg5: memref<768x128xi32, #tpu.memory_space<hbm>>, %arg6: memref<251904x128xi32, #tpu.memory_space<hbm>>, %arg7: memref<251904x128xi32, #tpu.memory_space<hbm>>, %arg8: memref<768x128xf32, #tpu.memory_space<hbm>>, %arg9: memref<24x128xi32, #tpu.memory_space<vmem>>, %arg10: memref<24x128xi32, #tpu.memory_space<vmem>>, %arg11: memref<24x128xi32, #tpu.memory_space<vmem>>, %arg12: memref<24x128xi32, #tpu.memory_space<vmem>>, %arg13: memref<128x128xi32, #tpu.memory_space<vmem>>, %arg14: memref<128x128xi32, #tpu.memory_space<vmem>>, %arg15: memref<128x128xi32, #tpu.memory_space<vmem>>, %arg16: memref<128x128xi32, #tpu.memory_space<vmem>>, %arg17: memref<24x128xf32, #tpu.memory_space<vmem>>, %arg18: memref<!tpu.dma_semaphore, #tpu.memory_space<semaphore_mem>>, %arg19: memref<!tpu.dma_semaphore, #tpu.memory_space<semaphore_mem>>) attributes {dimension_semantics = [#tpu.dimension_semantics<core_parallel>, #tpu.dimension_semantics<subcore_parallel>], iteration_bounds = array<i64: 2, 16>, scalar_prefetch = 0 : i64, scratch_operands = 11 : i64, tpu.core_type = #tpu.core_type<sc_vector_subcore>, window_params = [{transform_indices = #map}, {transform_indices = #map}, {transform_indices = #map}, {transform_indices = #map}, {transform_indices = #map}, {transform_indices = #map}, {transform_indices = #map}]} {
    %mul3A = arith.constant 2 : i32
    %mul3A_0 = arith.muli %arg1, %mul3A : i32
    %add3A = arith.addi %mul3A_0, %arg0 : i32
    %mul3A_1 = arith.constant 24 : i32
    %mul3A_2 = arith.muli %add3A, %mul3A_1 : i32
    "tpu.region"() ({
      %run_scoped3A = tpu.sem_alloc : memref<!tpu.dma_semaphore, #tpu.memory_space<semaphore_mem>>
      %dma_start3A_21 = arith.constant 0 : i32
      %dma_start3A_22 = tpu.memref_slice %arg2[%mul3A_2, %dma_start3A_21] : memref<768x128xi32, #tpu.memory_space<hbm>> -> memref<24x128xi32, #tpu.memory_space<hbm>>
      %dma_start3A_23 = arith.constant 0 : i32
      %dma_start3A_24 = tpu.memref_slice %arg2[%mul3A_2, %dma_start3A_23] : memref<768x128xi32, #tpu.memory_space<hbm>> -> memref<24x128xi32, #tpu.memory_space<hbm>>
      tpu.enqueue_dma source(%dma_start3A_24 : memref<24x128xi32, #tpu.memory_space<hbm>>) target(%arg9 : memref<24x128xi32, #tpu.memory_space<vmem>>) target_semaphore(%run_scoped3A : memref<!tpu.dma_semaphore, #tpu.memory_space<semaphore_mem>>)
      %dma_wait3A = arith.constant 0 : i32
      %dma_wait3A_25 = tpu.memref_slice %arg2[%mul3A_2, %dma_wait3A] : memref<768x128xi32, #tpu.memory_space<hbm>> -> memref<24x128xi32, #tpu.memory_space<hbm>>
      %dma_wait3A_26 = arith.constant 0 : i32
      %dma_wait3A_27 = tpu.memref_slice %arg2[%mul3A_2, %dma_wait3A_26] : memref<768x128xi32, #tpu.memory_space<hbm>> -> memref<24x128xi32, #tpu.memory_space<hbm>>
      tpu.wait_dma2 semaphore(%run_scoped3A : memref<!tpu.dma_semaphore, #tpu.memory_space<semaphore_mem>>) src(%dma_wait3A_27 : memref<24x128xi32, #tpu.memory_space<hbm>>) dst(%arg9 : memref<24x128xi32, #tpu.memory_space<vmem>>)
      tpu.yield
    }) : () -> ()
    "tpu.region"() ({
      %run_scoped3A = tpu.sem_alloc : memref<!tpu.dma_semaphore, #tpu.memory_space<semaphore_mem>>
      %dma_start3A_21 = arith.constant 0 : i32
      %dma_start3A_22 = tpu.memref_slice %arg3[%mul3A_2, %dma_start3A_21] : memref<768x128xi32, #tpu.memory_space<hbm>> -> memref<24x128xi32, #tpu.memory_space<hbm>>
      %dma_start3A_23 = arith.constant 0 : i32
      %dma_start3A_24 = tpu.memref_slice %arg3[%mul3A_2, %dma_start3A_23] : memref<768x128xi32, #tpu.memory_space<hbm>> -> memref<24x128xi32, #tpu.memory_space<hbm>>
      tpu.enqueue_dma source(%dma_start3A_24 : memref<24x128xi32, #tpu.memory_space<hbm>>) target(%arg10 : memref<24x128xi32, #tpu.memory_space<vmem>>) target_semaphore(%run_scoped3A : memref<!tpu.dma_semaphore, #tpu.memory_space<semaphore_mem>>)
      %dma_wait3A = arith.constant 0 : i32
      %dma_wait3A_25 = tpu.memref_slice %arg3[%mul3A_2, %dma_wait3A] : memref<768x128xi32, #tpu.memory_space<hbm>> -> memref<24x128xi32, #tpu.memory_space<hbm>>
      %dma_wait3A_26 = arith.constant 0 : i32
      %dma_wait3A_27 = tpu.memref_slice %arg3[%mul3A_2, %dma_wait3A_26] : memref<768x128xi32, #tpu.memory_space<hbm>> -> memref<24x128xi32, #tpu.memory_space<hbm>>
      tpu.wait_dma2 semaphore(%run_scoped3A : memref<!tpu.dma_semaphore, #tpu.memory_space<semaphore_mem>>) src(%dma_wait3A_27 : memref<24x128xi32, #tpu.memory_space<hbm>>) dst(%arg10 : memref<24x128xi32, #tpu.memory_space<vmem>>)
      tpu.yield
    }) : () -> ()
    "tpu.region"() ({
      %run_scoped3A = tpu.sem_alloc : memref<!tpu.dma_semaphore, #tpu.memory_space<semaphore_mem>>
      %dma_start3A_21 = arith.constant 0 : i32
      %dma_start3A_22 = tpu.memref_slice %arg4[%mul3A_2, %dma_start3A_21] : memref<768x128xi32, #tpu.memory_space<hbm>> -> memref<24x128xi32, #tpu.memory_space<hbm>>
      %dma_start3A_23 = arith.constant 0 : i32
      %dma_start3A_24 = tpu.memref_slice %arg4[%mul3A_2, %dma_start3A_23] : memref<768x128xi32, #tpu.memory_space<hbm>> -> memref<24x128xi32, #tpu.memory_space<hbm>>
      tpu.enqueue_dma source(%dma_start3A_24 : memref<24x128xi32, #tpu.memory_space<hbm>>) target(%arg11 : memref<24x128xi32, #tpu.memory_space<vmem>>) target_semaphore(%run_scoped3A : memref<!tpu.dma_semaphore, #tpu.memory_space<semaphore_mem>>)
      %dma_wait3A = arith.constant 0 : i32
      %dma_wait3A_25 = tpu.memref_slice %arg4[%mul3A_2, %dma_wait3A] : memref<768x128xi32, #tpu.memory_space<hbm>> -> memref<24x128xi32, #tpu.memory_space<hbm>>
      %dma_wait3A_26 = arith.constant 0 : i32
      %dma_wait3A_27 = tpu.memref_slice %arg4[%mul3A_2, %dma_wait3A_26] : memref<768x128xi32, #tpu.memory_space<hbm>> -> memref<24x128xi32, #tpu.memory_space<hbm>>
      tpu.wait_dma2 semaphore(%run_scoped3A : memref<!tpu.dma_semaphore, #tpu.memory_space<semaphore_mem>>) src(%dma_wait3A_27 : memref<24x128xi32, #tpu.memory_space<hbm>>) dst(%arg11 : memref<24x128xi32, #tpu.memory_space<vmem>>)
      tpu.yield
    }) : () -> ()
    "tpu.region"() ({
      %run_scoped3A = tpu.sem_alloc : memref<!tpu.dma_semaphore, #tpu.memory_space<semaphore_mem>>
      %dma_start3A_21 = arith.constant 0 : i32
      %dma_start3A_22 = tpu.memref_slice %arg5[%mul3A_2, %dma_start3A_21] : memref<768x128xi32, #tpu.memory_space<hbm>> -> memref<24x128xi32, #tpu.memory_space<hbm>>
      %dma_start3A_23 = arith.constant 0 : i32
      %dma_start3A_24 = tpu.memref_slice %arg5[%mul3A_2, %dma_start3A_23] : memref<768x128xi32, #tpu.memory_space<hbm>> -> memref<24x128xi32, #tpu.memory_space<hbm>>
      tpu.enqueue_dma source(%dma_start3A_24 : memref<24x128xi32, #tpu.memory_space<hbm>>) target(%arg12 : memref<24x128xi32, #tpu.memory_space<vmem>>) target_semaphore(%run_scoped3A : memref<!tpu.dma_semaphore, #tpu.memory_space<semaphore_mem>>)
      %dma_wait3A = arith.constant 0 : i32
      %dma_wait3A_25 = tpu.memref_slice %arg5[%mul3A_2, %dma_wait3A] : memref<768x128xi32, #tpu.memory_space<hbm>> -> memref<24x128xi32, #tpu.memory_space<hbm>>
      %dma_wait3A_26 = arith.constant 0 : i32
      %dma_wait3A_27 = tpu.memref_slice %arg5[%mul3A_2, %dma_wait3A_26] : memref<768x128xi32, #tpu.memory_space<hbm>> -> memref<24x128xi32, #tpu.memory_space<hbm>>
      tpu.wait_dma2 semaphore(%run_scoped3A : memref<!tpu.dma_semaphore, #tpu.memory_space<semaphore_mem>>) src(%dma_wait3A_27 : memref<24x128xi32, #tpu.memory_space<hbm>>) dst(%arg12 : memref<24x128xi32, #tpu.memory_space<vmem>>)
      tpu.yield
    }) : () -> ()
    %dma_start3A = arith.constant 0 : i32
    %dma_start3A_3 = arith.constant 0 : i32
    %dma_start3A_4 = tpu.memref_slice %arg9[%dma_start3A, %dma_start3A_3] : memref<24x128xi32, #tpu.memory_space<vmem>> -> memref<1x128xi32, #tpu.memory_space<vmem>>
    %dma_start3A_5 = tpu.memref_squeeze %dma_start3A_4 : memref<1x128xi32, #tpu.memory_space<vmem>> -> memref<128xi32, #tpu.memory_space<vmem>>
    %dma_start3A_6 = arith.constant 0 : i32
    %dma_start3A_7 = arith.constant 0 : i32
    %dma_start3A_8 = tpu.memref_slice %arg6[%dma_start3A_6, %dma_start3A_7] : memref<251904x128xi32, #tpu.memory_space<hbm>> -> memref<251904x128xi32, #tpu.memory_space<hbm>>
    tpu.enqueue_indirect_dma source(%dma_start3A_8 : memref<251904x128xi32, #tpu.memory_space<hbm>>) target(%arg13 : memref<128x128xi32, #tpu.memory_space<vmem>>) offsets(%dma_start3A_5 : memref<128xi32, #tpu.memory_space<vmem>>) semaphore(%arg18 : memref<!tpu.dma_semaphore, #tpu.memory_space<semaphore_mem>>)
    %dma_start3A_9 = arith.constant 0 : i32
    %dma_start3A_10 = arith.constant 0 : i32
    %dma_start3A_11 = tpu.memref_slice %arg11[%dma_start3A_9, %dma_start3A_10] : memref<24x128xi32, #tpu.memory_space<vmem>> -> memref<1x128xi32, #tpu.memory_space<vmem>>
    %dma_start3A_12 = tpu.memref_squeeze %dma_start3A_11 : memref<1x128xi32, #tpu.memory_space<vmem>> -> memref<128xi32, #tpu.memory_space<vmem>>
    %dma_start3A_13 = arith.constant 0 : i32
    %dma_start3A_14 = arith.constant 0 : i32
    %dma_start3A_15 = tpu.memref_slice %arg7[%dma_start3A_13, %dma_start3A_14] : memref<251904x128xi32, #tpu.memory_space<hbm>> -> memref<251904x128xi32, #tpu.memory_space<hbm>>
    tpu.enqueue_indirect_dma source(%dma_start3A_15 : memref<251904x128xi32, #tpu.memory_space<hbm>>) target(%arg14 : memref<128x128xi32, #tpu.memory_space<vmem>>) offsets(%dma_start3A_12 : memref<128xi32, #tpu.memory_space<vmem>>) semaphore(%arg18 : memref<!tpu.dma_semaphore, #tpu.memory_space<semaphore_mem>>)
    %scan3A = arith.constant 0 : i32
    %scan3A_16 = arith.constant 0 : i32
    %scan3A_17 = arith.constant 12 : i32
    %scan3A_18 = arith.addi %scan3A_16, %scan3A_17 : i32
    %scan3A_19 = arith.constant 1 : i32
    scf.for %scan3A_21 = %scan3A_16 to %scan3A_18 step %scan3A_19  : i32 {
      %mul3A_22 = arith.constant 2 : i32
      %mul3A_23 = arith.muli %mul3A_22, %scan3A_21 : i32
      %add3A_24 = arith.constant 1 : i32
      %add3A_25 = arith.addi %mul3A_23, %add3A_24 : i32
      %dma_start3A_26 = arith.constant 0 : i32
      %dma_start3A_27 = tpu.memref_slice %arg9[%add3A_25, %dma_start3A_26] : memref<24x128xi32, #tpu.memory_space<vmem>> -> memref<1x128xi32, #tpu.memory_space<vmem>>
      %dma_start3A_28 = tpu.memref_squeeze %dma_start3A_27 : memref<1x128xi32, #tpu.memory_space<vmem>> -> memref<128xi32, #tpu.memory_space<vmem>>
      %dma_start3A_29 = arith.constant 0 : i32
      %dma_start3A_30 = arith.constant 0 : i32
      %dma_start3A_31 = tpu.memref_slice %arg6[%dma_start3A_29, %dma_start3A_30] : memref<251904x128xi32, #tpu.memory_space<hbm>> -> memref<251904x128xi32, #tpu.memory_space<hbm>>
      tpu.enqueue_indirect_dma source(%dma_start3A_31 : memref<251904x128xi32, #tpu.memory_space<hbm>>) target(%arg15 : memref<128x128xi32, #tpu.memory_space<vmem>>) offsets(%dma_start3A_28 : memref<128xi32, #tpu.memory_space<vmem>>) semaphore(%arg19 : memref<!tpu.dma_semaphore, #tpu.memory_space<semaphore_mem>>)
      %dma_start3A_32 = arith.constant 0 : i32
      %dma_start3A_33 = tpu.memref_slice %arg11[%add3A_25, %dma_start3A_32] : memref<24x128xi32, #tpu.memory_space<vmem>> -> memref<1x128xi32, #tpu.memory_space<vmem>>
      %dma_start3A_34 = tpu.memref_squeeze %dma_start3A_33 : memref<1x128xi32, #tpu.memory_space<vmem>> -> memref<128xi32, #tpu.memory_space<vmem>>
      %dma_start3A_35 = arith.constant 0 : i32
      %dma_start3A_36 = arith.constant 0 : i32
      %dma_start3A_37 = tpu.memref_slice %arg7[%dma_start3A_35, %dma_start3A_36] : memref<251904x128xi32, #tpu.memory_space<hbm>> -> memref<251904x128xi32, #tpu.memory_space<hbm>>
      tpu.enqueue_indirect_dma source(%dma_start3A_37 : memref<251904x128xi32, #tpu.memory_space<hbm>>) target(%arg16 : memref<128x128xi32, #tpu.memory_space<vmem>>) offsets(%dma_start3A_34 : memref<128xi32, #tpu.memory_space<vmem>>) semaphore(%arg19 : memref<!tpu.dma_semaphore, #tpu.memory_space<semaphore_mem>>)
      %dma_wait3A = arith.constant 0 : i32
      %dma_wait3A_38 = tpu.memref_slice %arg9[%mul3A_23, %dma_wait3A] : memref<24x128xi32, #tpu.memory_space<vmem>> -> memref<1x128xi32, #tpu.memory_space<vmem>>
      %dma_wait3A_39 = tpu.memref_squeeze %dma_wait3A_38 : memref<1x128xi32, #tpu.memory_space<vmem>> -> memref<128xi32, #tpu.memory_space<vmem>>
      %dma_wait3A_40 = arith.constant 0 : i32
      %dma_wait3A_41 = arith.constant 0 : i32
      %dma_wait3A_42 = tpu.memref_slice %arg6[%dma_wait3A_40, %dma_wait3A_41] : memref<251904x128xi32, #tpu.memory_space<hbm>> -> memref<251904x128xi32, #tpu.memory_space<hbm>>
      tpu.wait_indirect_dma semaphore(%arg18 : memref<!tpu.dma_semaphore, #tpu.memory_space<semaphore_mem>>) src(%dma_wait3A_42 : memref<251904x128xi32, #tpu.memory_space<hbm>>) dst(%arg13 : memref<128x128xi32, #tpu.memory_space<vmem>>)
      %dma_wait3A_43 = arith.constant 0 : i32
      %dma_wait3A_44 = tpu.memref_slice %arg11[%mul3A_23, %dma_wait3A_43] : memref<24x128xi32, #tpu.memory_space<vmem>> -> memref<1x128xi32, #tpu.memory_space<vmem>>
      %dma_wait3A_45 = tpu.memref_squeeze %dma_wait3A_44 : memref<1x128xi32, #tpu.memory_space<vmem>> -> memref<128xi32, #tpu.memory_space<vmem>>
      %dma_wait3A_46 = arith.constant 0 : i32
      %dma_wait3A_47 = arith.constant 0 : i32
      %dma_wait3A_48 = tpu.memref_slice %arg7[%dma_wait3A_46, %dma_wait3A_47] : memref<251904x128xi32, #tpu.memory_space<hbm>> -> memref<251904x128xi32, #tpu.memory_space<hbm>>
      tpu.wait_indirect_dma semaphore(%arg18 : memref<!tpu.dma_semaphore, #tpu.memory_space<semaphore_mem>>) src(%dma_wait3A_48 : memref<251904x128xi32, #tpu.memory_space<hbm>>) dst(%arg14 : memref<128x128xi32, #tpu.memory_space<vmem>>)
      %scan3A_49 = arith.constant 0 : i32
      %scan3A_50 = arith.constant 0 : i32
      %scan3A_51 = arith.constant 8 : i32
      %scan3A_52 = arith.addi %scan3A_50, %scan3A_51 : i32
      %scan3A_53 = arith.constant 1 : i32
      scf.for %scan3A_77 = %scan3A_50 to %scan3A_52 step %scan3A_53  : i32 {
        %mul3A_78 = arith.constant 16 : i32
        %mul3A_79 = arith.muli %scan3A_77, %mul3A_78 : i32
        %iota3A = tpu.iota {dimensions = array<i32: 0>} : vector<16xi32>
        %add3A_80 = vector.broadcast %mul3A_79 : i32 to vector<16xi32>
        %add3A_81 = arith.addi %add3A_80, %iota3A : vector<16xi32>
        %mul3A_82 = arith.constant 16 : i32
        %mul3A_83 = arith.muli %scan3A_77, %mul3A_82 : i32
        %get3A = arith.index_cast %mul3A_23 : i32 to index
        %get3A_84 = arith.index_cast %mul3A_83 : i32 to index
        %get3A_85 = tpu.vector_load %arg10[%get3A, %get3A_84] {strides = array<i32>} : memref<24x128xi32, #tpu.memory_space<vmem>>, vector<16xi32>,
        %mul3A_86 = arith.constant 16 : i32
        %mul3A_87 = arith.muli %scan3A_77, %mul3A_86 : i32
        %get3A_88 = arith.index_cast %mul3A_23 : i32 to index
        %get3A_89 = arith.index_cast %mul3A_87 : i32 to index
        %get3A_90 = tpu.vector_load %arg12[%get3A_88, %get3A_89] {strides = array<i32>} : memref<24x128xi32, #tpu.memory_space<vmem>>, vector<16xi32>,
        %broadcast_in_dim3A = arith.constant 0.000000e+00 : f32
        %broadcast_in_dim3A_91 = vector.broadcast %broadcast_in_dim3A : f32 to vector<16xf32>
        %scan3A_92 = arith.constant 0 : i32
        %scan3A_93 = arith.constant 4 : i32
        %scan3A_94 = arith.addi %scan3A_92, %scan3A_93 : i32
        %scan3A_95 = arith.constant 1 : i32
        %scan3A_96 = scf.for %scan3A_102 = %scan3A_92 to %scan3A_94 step %scan3A_95 iter_args(%scan3A_103 = %broadcast_in_dim3A_91) -> (vector<16xf32>)  : i32 {
          %mul3A_104 = arith.constant 8 : i32
          %mul3A_105 = arith.muli %scan3A_102, %mul3A_104 : i32
          %add3A_106 = arith.constant 0 : i32
          %add3A_107 = arith.addi %mul3A_105, %add3A_106 : i32
          %add3A_108 = vector.broadcast %add3A_107 : i32 to vector<16xi32>
          %add3A_109 = arith.addi %get3A_85, %add3A_108 : vector<16xi32>
          %gather3A = tpu.vector_load_idx %arg13[%add3A_81, %add3A_109] : memref<128x128xi32, #tpu.memory_space<vmem>>[vector<16xi32>, vector<16xi32>], vector<16xi32>,
          %add3A_110 = vector.broadcast %add3A_107 : i32 to vector<16xi32>
          %add3A_111 = arith.addi %get3A_90, %add3A_110 : vector<16xi32>
          %gather3A_112 = tpu.vector_load_idx %arg14[%add3A_81, %add3A_111] : memref<128x128xi32, #tpu.memory_space<vmem>>[vector<16xi32>, vector<16xi32>], vector<16xi32>,
          %bitcast3A = vector.bitcast %gather3A : vector<16xi32> to vector<32xbf16>
          %unpack3A = tpu.unpack_subelements %bitcast3A, 0 {pack_format = #tpu.pack_format<interleaved>} : vector<32xbf16> -> vector<16xf32>
          %unpack3A_113 = tpu.unpack_subelements %bitcast3A, 1 {pack_format = #tpu.pack_format<interleaved>} : vector<32xbf16> -> vector<16xf32>
          %bitcast3A_114 = vector.bitcast %gather3A_112 : vector<16xi32> to vector<32xbf16>
          %unpack3A_115 = tpu.unpack_subelements %bitcast3A_114, 0 {pack_format = #tpu.pack_format<interleaved>} : vector<32xbf16> -> vector<16xf32>
          %unpack3A_116 = tpu.unpack_subelements %bitcast3A_114, 1 {pack_format = #tpu.pack_format<interleaved>} : vector<32xbf16> -> vector<16xf32>
          %sub3A = arith.subf %unpack3A_113, %unpack3A_116 : vector<16xf32>
          %abs3A = math.absf %sub3A : vector<16xf32>
          %sub3A_117 = arith.constant 6.28318548 : f32
          %sub3A_118 = vector.broadcast %sub3A_117 : f32 to vector<16xf32>
          %sub3A_119 = arith.subf %sub3A_118, %abs3A : vector<16xf32>
          %min3A = arith.minimumf %abs3A, %sub3A_119 : vector<16xf32>
          %mul3A_120 = arith.mulf %min3A, %min3A : vector<16xf32>
          %mul3A_121 = arith.constant -2.21939501E-7 : f32
          %mul3A_122 = vector.broadcast %mul3A_121 : f32 to vector<16xf32>
          %mul3A_123 = arith.mulf %mul3A_120, %mul3A_122 : vector<16xf32>
          %add3A_124 = arith.constant 2.42531933E-5 : f32
          %add3A_125 = vector.broadcast %add3A_124 : f32 to vector<16xf32>
          %add3A_126 = arith.addf %add3A_125, %mul3A_123 : vector<16xf32>
          %mul3A_127 = arith.mulf %mul3A_120, %add3A_126 : vector<16xf32>
          %add3A_128 = arith.constant -0.0013862747 : f32
          %add3A_129 = vector.broadcast %add3A_128 : f32 to vector<16xf32>
          %add3A_130 = arith.addf %add3A_129, %mul3A_127 : vector<16xf32>
          %mul3A_131 = arith.mulf %mul3A_120, %add3A_130 : vector<16xf32>
          %add3A_132 = arith.constant 0.0416610315 : f32
          %add3A_133 = vector.broadcast %add3A_132 : f32 to vector<16xf32>
          %add3A_134 = arith.addf %add3A_133, %mul3A_131 : vector<16xf32>
          %mul3A_135 = arith.mulf %mul3A_120, %add3A_134 : vector<16xf32>
          %add3A_136 = arith.constant -0.499995589 : f32
          %add3A_137 = vector.broadcast %add3A_136 : f32 to vector<16xf32>
          %add3A_138 = arith.addf %add3A_137, %mul3A_135 : vector<16xf32>
          %mul3A_139 = arith.mulf %mul3A_120, %add3A_138 : vector<16xf32>
          %add3A_140 = arith.constant 0.999999463 : f32
          %add3A_141 = vector.broadcast %add3A_140 : f32 to vector<16xf32>
          %add3A_142 = arith.addf %add3A_141, %mul3A_139 : vector<16xf32>
          %mul3A_143 = arith.mulf %unpack3A, %unpack3A_115 : vector<16xf32>
          %mul3A_144 = arith.mulf %mul3A_143, %add3A_142 : vector<16xf32>
          %add3A_145 = arith.addf %scan3A_103, %mul3A_144 : vector<16xf32>
          %mul3A_146 = arith.constant 8 : i32
          %mul3A_147 = arith.muli %scan3A_102, %mul3A_146 : i32
          %add3A_148 = arith.constant 1 : i32
          %add3A_149 = arith.addi %mul3A_147, %add3A_148 : i32
          %add3A_150 = vector.broadcast %add3A_149 : i32 to vector<16xi32>
          %add3A_151 = arith.addi %get3A_85, %add3A_150 : vector<16xi32>
          %gather3A_152 = tpu.vector_load_idx %arg13[%add3A_81, %add3A_151] : memref<128x128xi32, #tpu.memory_space<vmem>>[vector<16xi32>, vector<16xi32>], vector<16xi32>,
          %add3A_153 = vector.broadcast %add3A_149 : i32 to vector<16xi32>
          %add3A_154 = arith.addi %get3A_90, %add3A_153 : vector<16xi32>
          %gather3A_155 = tpu.vector_load_idx %arg14[%add3A_81, %add3A_154] : memref<128x128xi32, #tpu.memory_space<vmem>>[vector<16xi32>, vector<16xi32>], vector<16xi32>,
          %bitcast3A_156 = vector.bitcast %gather3A_152 : vector<16xi32> to vector<32xbf16>
          %unpack3A_157 = tpu.unpack_subelements %bitcast3A_156, 0 {pack_format = #tpu.pack_format<interleaved>} : vector<32xbf16> -> vector<16xf32>
          %unpack3A_158 = tpu.unpack_subelements %bitcast3A_156, 1 {pack_format = #tpu.pack_format<interleaved>} : vector<32xbf16> -> vector<16xf32>
          %bitcast3A_159 = vector.bitcast %gather3A_155 : vector<16xi32> to vector<32xbf16>
          %unpack3A_160 = tpu.unpack_subelements %bitcast3A_159, 0 {pack_format = #tpu.pack_format<interleaved>} : vector<32xbf16> -> vector<16xf32>
          %unpack3A_161 = tpu.unpack_subelements %bitcast3A_159, 1 {pack_format = #tpu.pack_format<interleaved>} : vector<32xbf16> -> vector<16xf32>
          %sub3A_162 = arith.subf %unpack3A_158, %unpack3A_161 : vector<16xf32>
          %abs3A_163 = math.absf %sub3A_162 : vector<16xf32>
          %sub3A_164 = arith.constant 6.28318548 : f32
          %sub3A_165 = vector.broadcast %sub3A_164 : f32 to vector<16xf32>
          %sub3A_166 = arith.subf %sub3A_165, %abs3A_163 : vector<16xf32>
          %min3A_167 = arith.minimumf %abs3A_163, %sub3A_166 : vector<16xf32>
          %mul3A_168 = arith.mulf %min3A_167, %min3A_167 : vector<16xf32>
          %mul3A_169 = arith.constant -2.21939501E-7 : f32
          %mul3A_170 = vector.broadcast %mul3A_169 : f32 to vector<16xf32>
          %mul3A_171 = arith.mulf %mul3A_168, %mul3A_170 : vector<16xf32>
          %add3A_172 = arith.constant 2.42531933E-5 : f32
          %add3A_173 = vector.broadcast %add3A_172 : f32 to vector<16xf32>
          %add3A_174 = arith.addf %add3A_173, %mul3A_171 : vector<16xf32>
          %mul3A_175 = arith.mulf %mul3A_168, %add3A_174 : vector<16xf32>
          %add3A_176 = arith.constant -0.0013862747 : f32
          %add3A_177 = vector.broadcast %add3A_176 : f32 to vector<16xf32>
          %add3A_178 = arith.addf %add3A_177, %mul3A_175 : vector<16xf32>
          %mul3A_179 = arith.mulf %mul3A_168, %add3A_178 : vector<16xf32>
          %add3A_180 = arith.constant 0.0416610315 : f32
          %add3A_181 = vector.broadcast %add3A_180 : f32 to vector<16xf32>
          %add3A_182 = arith.addf %add3A_181, %mul3A_179 : vector<16xf32>
          %mul3A_183 = arith.mulf %mul3A_168, %add3A_182 : vector<16xf32>
          %add3A_184 = arith.constant -0.499995589 : f32
          %add3A_185 = vector.broadcast %add3A_184 : f32 to vector<16xf32>
          %add3A_186 = arith.addf %add3A_185, %mul3A_183 : vector<16xf32>
          %mul3A_187 = arith.mulf %mul3A_168, %add3A_186 : vector<16xf32>
          %add3A_188 = arith.constant 0.999999463 : f32
          %add3A_189 = vector.broadcast %add3A_188 : f32 to vector<16xf32>
          %add3A_190 = arith.addf %add3A_189, %mul3A_187 : vector<16xf32>
          %mul3A_191 = arith.mulf %unpack3A_157, %unpack3A_160 : vector<16xf32>
          %mul3A_192 = arith.mulf %mul3A_191, %add3A_190 : vector<16xf32>
          %add3A_193 = arith.addf %add3A_145, %mul3A_192 : vector<16xf32>
          %mul3A_194 = arith.constant 8 : i32
          %mul3A_195 = arith.muli %scan3A_102, %mul3A_194 : i32
          %add3A_196 = arith.constant 2 : i32
          %add3A_197 = arith.addi %mul3A_195, %add3A_196 : i32
          %add3A_198 = vector.broadcast %add3A_197 : i32 to vector<16xi32>
          %add3A_199 = arith.addi %get3A_85, %add3A_198 : vector<16xi32>
          %gather3A_200 = tpu.vector_load_idx %arg13[%add3A_81, %add3A_199] : memref<128x128xi32, #tpu.memory_space<vmem>>[vector<16xi32>, vector<16xi32>], vector<16xi32>,
          %add3A_201 = vector.broadcast %add3A_197 : i32 to vector<16xi32>
          %add3A_202 = arith.addi %get3A_90, %add3A_201 : vector<16xi32>
          %gather3A_203 = tpu.vector_load_idx %arg14[%add3A_81, %add3A_202] : memref<128x128xi32, #tpu.memory_space<vmem>>[vector<16xi32>, vector<16xi32>], vector<16xi32>,
          %bitcast3A_204 = vector.bitcast %gather3A_200 : vector<16xi32> to vector<32xbf16>
          %unpack3A_205 = tpu.unpack_subelements %bitcast3A_204, 0 {pack_format = #tpu.pack_format<interleaved>} : vector<32xbf16> -> vector<16xf32>
          %unpack3A_206 = tpu.unpack_subelements %bitcast3A_204, 1 {pack_format = #tpu.pack_format<interleaved>} : vector<32xbf16> -> vector<16xf32>
          %bitcast3A_207 = vector.bitcast %gather3A_203 : vector<16xi32> to vector<32xbf16>
          %unpack3A_208 = tpu.unpack_subelements %bitcast3A_207, 0 {pack_format = #tpu.pack_format<interleaved>} : vector<32xbf16> -> vector<16xf32>
          %unpack3A_209 = tpu.unpack_subelements %bitcast3A_207, 1 {pack_format = #tpu.pack_format<interleaved>} : vector<32xbf16> -> vector<16xf32>
          %sub3A_210 = arith.subf %unpack3A_206, %unpack3A_209 : vector<16xf32>
          %abs3A_211 = math.absf %sub3A_210 : vector<16xf32>
          %sub3A_212 = arith.constant 6.28318548 : f32
          %sub3A_213 = vector.broadcast %sub3A_212 : f32 to vector<16xf32>
          %sub3A_214 = arith.subf %sub3A_213, %abs3A_211 : vector<16xf32>
          %min3A_215 = arith.minimumf %abs3A_211, %sub3A_214 : vector<16xf32>
          %mul3A_216 = arith.mulf %min3A_215, %min3A_215 : vector<16xf32>
          %mul3A_217 = arith.constant -2.21939501E-7 : f32
          %mul3A_218 = vector.broadcast %mul3A_217 : f32 to vector<16xf32>
          %mul3A_219 = arith.mulf %mul3A_216, %mul3A_218 : vector<16xf32>
          %add3A_220 = arith.constant 2.42531933E-5 : f32
          %add3A_221 = vector.broadcast %add3A_220 : f32 to vector<16xf32>
          %add3A_222 = arith.addf %add3A_221, %mul3A_219 : vector<16xf32>
          %mul3A_223 = arith.mulf %mul3A_216, %add3A_222 : vector<16xf32>
          %add3A_224 = arith.constant -0.0013862747 : f32
          %add3A_225 = vector.broadcast %add3A_224 : f32 to vector<16xf32>
          %add3A_226 = arith.addf %add3A_225, %mul3A_223 : vector<16xf32>
          %mul3A_227 = arith.mulf %mul3A_216, %add3A_226 : vector<16xf32>
          %add3A_228 = arith.constant 0.0416610315 : f32
          %add3A_229 = vector.broadcast %add3A_228 : f32 to vector<16xf32>
          %add3A_230 = arith.addf %add3A_229, %mul3A_227 : vector<16xf32>
          %mul3A_231 = arith.mulf %mul3A_216, %add3A_230 : vector<16xf32>
          %add3A_232 = arith.constant -0.499995589 : f32
          %add3A_233 = vector.broadcast %add3A_232 : f32 to vector<16xf32>
          %add3A_234 = arith.addf %add3A_233, %mul3A_231 : vector<16xf32>
          %mul3A_235 = arith.mulf %mul3A_216, %add3A_234 : vector<16xf32>
          %add3A_236 = arith.constant 0.999999463 : f32
          %add3A_237 = vector.broadcast %add3A_236 : f32 to vector<16xf32>
          %add3A_238 = arith.addf %add3A_237, %mul3A_235 : vector<16xf32>
          %mul3A_239 = arith.mulf %unpack3A_205, %unpack3A_208 : vector<16xf32>
          %mul3A_240 = arith.mulf %mul3A_239, %add3A_238 : vector<16xf32>
          %add3A_241 = arith.addf %add3A_193, %mul3A_240 : vector<16xf32>
          %mul3A_242 = arith.constant 8 : i32
          %mul3A_243 = arith.muli %scan3A_102, %mul3A_242 : i32
          %add3A_244 = arith.constant 3 : i32
          %add3A_245 = arith.addi %mul3A_243, %add3A_244 : i32
          %add3A_246 = vector.broadcast %add3A_245 : i32 to vector<16xi32>
          %add3A_247 = arith.addi %get3A_85, %add3A_246 : vector<16xi32>
          %gather3A_248 = tpu.vector_load_idx %arg13[%add3A_81, %add3A_247] : memref<128x128xi32, #tpu.memory_space<vmem>>[vector<16xi32>, vector<16xi32>], vector<16xi32>,
          %add3A_249 = vector.broadcast %add3A_245 : i32 to vector<16xi32>
          %add3A_250 = arith.addi %get3A_90, %add3A_249 : vector<16xi32>
          %gather3A_251 = tpu.vector_load_idx %arg14[%add3A_81, %add3A_250] : memref<128x128xi32, #tpu.memory_space<vmem>>[vector<16xi32>, vector<16xi32>], vector<16xi32>,
          %bitcast3A_252 = vector.bitcast %gather3A_248 : vector<16xi32> to vector<32xbf16>
          %unpack3A_253 = tpu.unpack_subelements %bitcast3A_252, 0 {pack_format = #tpu.pack_format<interleaved>} : vector<32xbf16> -> vector<16xf32>
          %unpack3A_254 = tpu.unpack_subelements %bitcast3A_252, 1 {pack_format = #tpu.pack_format<interleaved>} : vector<32xbf16> -> vector<16xf32>
          %bitcast3A_255 = vector.bitcast %gather3A_251 : vector<16xi32> to vector<32xbf16>
          %unpack3A_256 = tpu.unpack_subelements %bitcast3A_255, 0 {pack_format = #tpu.pack_format<interleaved>} : vector<32xbf16> -> vector<16xf32>
          %unpack3A_257 = tpu.unpack_subelements %bitcast3A_255, 1 {pack_format = #tpu.pack_format<interleaved>} : vector<32xbf16> -> vector<16xf32>
          %sub3A_258 = arith.subf %unpack3A_254, %unpack3A_257 : vector<16xf32>
          %abs3A_259 = math.absf %sub3A_258 : vector<16xf32>
          %sub3A_260 = arith.constant 6.28318548 : f32
          %sub3A_261 = vector.broadcast %sub3A_260 : f32 to vector<16xf32>
          %sub3A_262 = arith.subf %sub3A_261, %abs3A_259 : vector<16xf32>
          %min3A_263 = arith.minimumf %abs3A_259, %sub3A_262 : vector<16xf32>
          %mul3A_264 = arith.mulf %min3A_263, %min3A_263 : vector<16xf32>
          %mul3A_265 = arith.constant -2.21939501E-7 : f32
          %mul3A_266 = vector.broadcast %mul3A_265 : f32 to vector<16xf32>
          %mul3A_267 = arith.mulf %mul3A_264, %mul3A_266 : vector<16xf32>
          %add3A_268 = arith.constant 2.42531933E-5 : f32
          %add3A_269 = vector.broadcast %add3A_268 : f32 to vector<16xf32>
          %add3A_270 = arith.addf %add3A_269, %mul3A_267 : vector<16xf32>
          %mul3A_271 = arith.mulf %mul3A_264, %add3A_270 : vector<16xf32>
          %add3A_272 = arith.constant -0.0013862747 : f32
          %add3A_273 = vector.broadcast %add3A_272 : f32 to vector<16xf32>
          %add3A_274 = arith.addf %add3A_273, %mul3A_271 : vector<16xf32>
          %mul3A_275 = arith.mulf %mul3A_264, %add3A_274 : vector<16xf32>
          %add3A_276 = arith.constant 0.0416610315 : f32
          %add3A_277 = vector.broadcast %add3A_276 : f32 to vector<16xf32>
          %add3A_278 = arith.addf %add3A_277, %mul3A_275 : vector<16xf32>
          %mul3A_279 = arith.mulf %mul3A_264, %add3A_278 : vector<16xf32>
          %add3A_280 = arith.constant -0.499995589 : f32
          %add3A_281 = vector.broadcast %add3A_280 : f32 to vector<16xf32>
          %add3A_282 = arith.addf %add3A_281, %mul3A_279 : vector<16xf32>
          %mul3A_283 = arith.mulf %mul3A_264, %add3A_282 : vector<16xf32>
          %add3A_284 = arith.constant 0.999999463 : f32
          %add3A_285 = vector.broadcast %add3A_284 : f32 to vector<16xf32>
          %add3A_286 = arith.addf %add3A_285, %mul3A_283 : vector<16xf32>
          %mul3A_287 = arith.mulf %unpack3A_253, %unpack3A_256 : vector<16xf32>
          %mul3A_288 = arith.mulf %mul3A_287, %add3A_286 : vector<16xf32>
          %add3A_289 = arith.addf %add3A_241, %mul3A_288 : vector<16xf32>
          %mul3A_290 = arith.constant 8 : i32
          %mul3A_291 = arith.muli %scan3A_102, %mul3A_290 : i32
          %add3A_292 = arith.constant 4 : i32
          %add3A_293 = arith.addi %mul3A_291, %add3A_292 : i32
          %add3A_294 = vector.broadcast %add3A_293 : i32 to vector<16xi32>
          %add3A_295 = arith.addi %get3A_85, %add3A_294 : vector<16xi32>
          %gather3A_296 = tpu.vector_load_idx %arg13[%add3A_81, %add3A_295] : memref<128x128xi32, #tpu.memory_space<vmem>>[vector<16xi32>, vector<16xi32>], vector<16xi32>,
          %add3A_297 = vector.broadcast %add3A_293 : i32 to vector<16xi32>
          %add3A_298 = arith.addi %get3A_90, %add3A_297 : vector<16xi32>
          %gather3A_299 = tpu.vector_load_idx %arg14[%add3A_81, %add3A_298] : memref<128x128xi32, #tpu.memory_space<vmem>>[vector<16xi32>, vector<16xi32>], vector<16xi32>,
          %bitcast3A_300 = vector.bitcast %gather3A_296 : vector<16xi32> to vector<32xbf16>
          %unpack3A_301 = tpu.unpack_subelements %bitcast3A_300, 0 {pack_format = #tpu.pack_format<interleaved>} : vector<32xbf16> -> vector<16xf32>
          %unpack3A_302 = tpu.unpack_subelements %bitcast3A_300, 1 {pack_format = #tpu.pack_format<interleaved>} : vector<32xbf16> -> vector<16xf32>
          %bitcast3A_303 = vector.bitcast %gather3A_299 : vector<16xi32> to vector<32xbf16>
          %unpack3A_304 = tpu.unpack_subelements %bitcast3A_303, 0 {pack_format = #tpu.pack_format<interleaved>} : vector<32xbf16> -> vector<16xf32>
          %unpack3A_305 = tpu.unpack_subelements %bitcast3A_303, 1 {pack_format = #tpu.pack_format<interleaved>} : vector<32xbf16> -> vector<16xf32>
          %sub3A_306 = arith.subf %unpack3A_302, %unpack3A_305 : vector<16xf32>
          %abs3A_307 = math.absf %sub3A_306 : vector<16xf32>
          %sub3A_308 = arith.constant 6.28318548 : f32
          %sub3A_309 = vector.broadcast %sub3A_308 : f32 to vector<16xf32>
          %sub3A_310 = arith.subf %sub3A_309, %abs3A_307 : vector<16xf32>
          %min3A_311 = arith.minimumf %abs3A_307, %sub3A_310 : vector<16xf32>
          %mul3A_312 = arith.mulf %min3A_311, %min3A_311 : vector<16xf32>
          %mul3A_313 = arith.constant -2.21939501E-7 : f32
          %mul3A_314 = vector.broadcast %mul3A_313 : f32 to vector<16xf32>
          %mul3A_315 = arith.mulf %mul3A_312, %mul3A_314 : vector<16xf32>
          %add3A_316 = arith.constant 2.42531933E-5 : f32
          %add3A_317 = vector.broadcast %add3A_316 : f32 to vector<16xf32>
          %add3A_318 = arith.addf %add3A_317, %mul3A_315 : vector<16xf32>
          %mul3A_319 = arith.mulf %mul3A_312, %add3A_318 : vector<16xf32>
          %add3A_320 = arith.constant -0.0013862747 : f32
          %add3A_321 = vector.broadcast %add3A_320 : f32 to vector<16xf32>
          %add3A_322 = arith.addf %add3A_321, %mul3A_319 : vector<16xf32>
          %mul3A_323 = arith.mulf %mul3A_312, %add3A_322 : vector<16xf32>
          %add3A_324 = arith.constant 0.0416610315 : f32
          %add3A_325 = vector.broadcast %add3A_324 : f32 to vector<16xf32>
          %add3A_326 = arith.addf %add3A_325, %mul3A_323 : vector<16xf32>
          %mul3A_327 = arith.mulf %mul3A_312, %add3A_326 : vector<16xf32>
          %add3A_328 = arith.constant -0.499995589 : f32
          %add3A_329 = vector.broadcast %add3A_328 : f32 to vector<16xf32>
          %add3A_330 = arith.addf %add3A_329, %mul3A_327 : vector<16xf32>
          %mul3A_331 = arith.mulf %mul3A_312, %add3A_330 : vector<16xf32>
          %add3A_332 = arith.constant 0.999999463 : f32
          %add3A_333 = vector.broadcast %add3A_332 : f32 to vector<16xf32>
          %add3A_334 = arith.addf %add3A_333, %mul3A_331 : vector<16xf32>
          %mul3A_335 = arith.mulf %unpack3A_301, %unpack3A_304 : vector<16xf32>
          %mul3A_336 = arith.mulf %mul3A_335, %add3A_334 : vector<16xf32>
          %add3A_337 = arith.addf %add3A_289, %mul3A_336 : vector<16xf32>
          %mul3A_338 = arith.constant 8 : i32
          %mul3A_339 = arith.muli %scan3A_102, %mul3A_338 : i32
          %add3A_340 = arith.constant 5 : i32
          %add3A_341 = arith.addi %mul3A_339, %add3A_340 : i32
          %add3A_342 = vector.broadcast %add3A_341 : i32 to vector<16xi32>
          %add3A_343 = arith.addi %get3A_85, %add3A_342 : vector<16xi32>
          %gather3A_344 = tpu.vector_load_idx %arg13[%add3A_81, %add3A_343] : memref<128x128xi32, #tpu.memory_space<vmem>>[vector<16xi32>, vector<16xi32>], vector<16xi32>,
          %add3A_345 = vector.broadcast %add3A_341 : i32 to vector<16xi32>
          %add3A_346 = arith.addi %get3A_90, %add3A_345 : vector<16xi32>
          %gather3A_347 = tpu.vector_load_idx %arg14[%add3A_81, %add3A_346] : memref<128x128xi32, #tpu.memory_space<vmem>>[vector<16xi32>, vector<16xi32>], vector<16xi32>,
          %bitcast3A_348 = vector.bitcast %gather3A_344 : vector<16xi32> to vector<32xbf16>
          %unpack3A_349 = tpu.unpack_subelements %bitcast3A_348, 0 {pack_format = #tpu.pack_format<interleaved>} : vector<32xbf16> -> vector<16xf32>
          %unpack3A_350 = tpu.unpack_subelements %bitcast3A_348, 1 {pack_format = #tpu.pack_format<interleaved>} : vector<32xbf16> -> vector<16xf32>
          %bitcast3A_351 = vector.bitcast %gather3A_347 : vector<16xi32> to vector<32xbf16>
          %unpack3A_352 = tpu.unpack_subelements %bitcast3A_351, 0 {pack_format = #tpu.pack_format<interleaved>} : vector<32xbf16> -> vector<16xf32>
          %unpack3A_353 = tpu.unpack_subelements %bitcast3A_351, 1 {pack_format = #tpu.pack_format<interleaved>} : vector<32xbf16> -> vector<16xf32>
          %sub3A_354 = arith.subf %unpack3A_350, %unpack3A_353 : vector<16xf32>
          %abs3A_355 = math.absf %sub3A_354 : vector<16xf32>
          %sub3A_356 = arith.constant 6.28318548 : f32
          %sub3A_357 = vector.broadcast %sub3A_356 : f32 to vector<16xf32>
          %sub3A_358 = arith.subf %sub3A_357, %abs3A_355 : vector<16xf32>
          %min3A_359 = arith.minimumf %abs3A_355, %sub3A_358 : vector<16xf32>
          %mul3A_360 = arith.mulf %min3A_359, %min3A_359 : vector<16xf32>
          %mul3A_361 = arith.constant -2.21939501E-7 : f32
          %mul3A_362 = vector.broadcast %mul3A_361 : f32 to vector<16xf32>
          %mul3A_363 = arith.mulf %mul3A_360, %mul3A_362 : vector<16xf32>
          %add3A_364 = arith.constant 2.42531933E-5 : f32
          %add3A_365 = vector.broadcast %add3A_364 : f32 to vector<16xf32>
          %add3A_366 = arith.addf %add3A_365, %mul3A_363 : vector<16xf32>
          %mul3A_367 = arith.mulf %mul3A_360, %add3A_366 : vector<16xf32>
          %add3A_368 = arith.constant -0.0013862747 : f32
          %add3A_369 = vector.broadcast %add3A_368 : f32 to vector<16xf32>
          %add3A_370 = arith.addf %add3A_369, %mul3A_367 : vector<16xf32>
          %mul3A_371 = arith.mulf %mul3A_360, %add3A_370 : vector<16xf32>
          %add3A_372 = arith.constant 0.0416610315 : f32
          %add3A_373 = vector.broadcast %add3A_372 : f32 to vector<16xf32>
          %add3A_374 = arith.addf %add3A_373, %mul3A_371 : vector<16xf32>
          %mul3A_375 = arith.mulf %mul3A_360, %add3A_374 : vector<16xf32>
          %add3A_376 = arith.constant -0.499995589 : f32
          %add3A_377 = vector.broadcast %add3A_376 : f32 to vector<16xf32>
          %add3A_378 = arith.addf %add3A_377, %mul3A_375 : vector<16xf32>
          %mul3A_379 = arith.mulf %mul3A_360, %add3A_378 : vector<16xf32>
          %add3A_380 = arith.constant 0.999999463 : f32
          %add3A_381 = vector.broadcast %add3A_380 : f32 to vector<16xf32>
          %add3A_382 = arith.addf %add3A_381, %mul3A_379 : vector<16xf32>
          %mul3A_383 = arith.mulf %unpack3A_349, %unpack3A_352 : vector<16xf32>
          %mul3A_384 = arith.mulf %mul3A_383, %add3A_382 : vector<16xf32>
          %add3A_385 = arith.addf %add3A_337, %mul3A_384 : vector<16xf32>
          %mul3A_386 = arith.constant 8 : i32
          %mul3A_387 = arith.muli %scan3A_102, %mul3A_386 : i32
          %add3A_388 = arith.constant 6 : i32
          %add3A_389 = arith.addi %mul3A_387, %add3A_388 : i32
          %add3A_390 = vector.broadcast %add3A_389 : i32 to vector<16xi32>
          %add3A_391 = arith.addi %get3A_85, %add3A_390 : vector<16xi32>
          %gather3A_392 = tpu.vector_load_idx %arg13[%add3A_81, %add3A_391] : memref<128x128xi32, #tpu.memory_space<vmem>>[vector<16xi32>, vector<16xi32>], vector<16xi32>,
          %add3A_393 = vector.broadcast %add3A_389 : i32 to vector<16xi32>
          %add3A_394 = arith.addi %get3A_90, %add3A_393 : vector<16xi32>
          %gather3A_395 = tpu.vector_load_idx %arg14[%add3A_81, %add3A_394] : memref<128x128xi32, #tpu.memory_space<vmem>>[vector<16xi32>, vector<16xi32>], vector<16xi32>,
          %bitcast3A_396 = vector.bitcast %gather3A_392 : vector<16xi32> to vector<32xbf16>
          %unpack3A_397 = tpu.unpack_subelements %bitcast3A_396, 0 {pack_format = #tpu.pack_format<interleaved>} : vector<32xbf16> -> vector<16xf32>
          %unpack3A_398 = tpu.unpack_subelements %bitcast3A_396, 1 {pack_format = #tpu.pack_format<interleaved>} : vector<32xbf16> -> vector<16xf32>
          %bitcast3A_399 = vector.bitcast %gather3A_395 : vector<16xi32> to vector<32xbf16>
          %unpack3A_400 = tpu.unpack_subelements %bitcast3A_399, 0 {pack_format = #tpu.pack_format<interleaved>} : vector<32xbf16> -> vector<16xf32>
          %unpack3A_401 = tpu.unpack_subelements %bitcast3A_399, 1 {pack_format = #tpu.pack_format<interleaved>} : vector<32xbf16> -> vector<16xf32>
          %sub3A_402 = arith.subf %unpack3A_398, %unpack3A_401 : vector<16xf32>
          %abs3A_403 = math.absf %sub3A_402 : vector<16xf32>
          %sub3A_404 = arith.constant 6.28318548 : f32
          %sub3A_405 = vector.broadcast %sub3A_404 : f32 to vector<16xf32>
          %sub3A_406 = arith.subf %sub3A_405, %abs3A_403 : vector<16xf32>
          %min3A_407 = arith.minimumf %abs3A_403, %sub3A_406 : vector<16xf32>
          %mul3A_408 = arith.mulf %min3A_407, %min3A_407 : vector<16xf32>
          %mul3A_409 = arith.constant -2.21939501E-7 : f32
          %mul3A_410 = vector.broadcast %mul3A_409 : f32 to vector<16xf32>
          %mul3A_411 = arith.mulf %mul3A_408, %mul3A_410 : vector<16xf32>
          %add3A_412 = arith.constant 2.42531933E-5 : f32
          %add3A_413 = vector.broadcast %add3A_412 : f32 to vector<16xf32>
          %add3A_414 = arith.addf %add3A_413, %mul3A_411 : vector<16xf32>
          %mul3A_415 = arith.mulf %mul3A_408, %add3A_414 : vector<16xf32>
          %add3A_416 = arith.constant -0.0013862747 : f32
          %add3A_417 = vector.broadcast %add3A_416 : f32 to vector<16xf32>
          %add3A_418 = arith.addf %add3A_417, %mul3A_415 : vector<16xf32>
          %mul3A_419 = arith.mulf %mul3A_408, %add3A_418 : vector<16xf32>
          %add3A_420 = arith.constant 0.0416610315 : f32
          %add3A_421 = vector.broadcast %add3A_420 : f32 to vector<16xf32>
          %add3A_422 = arith.addf %add3A_421, %mul3A_419 : vector<16xf32>
          %mul3A_423 = arith.mulf %mul3A_408, %add3A_422 : vector<16xf32>
          %add3A_424 = arith.constant -0.499995589 : f32
          %add3A_425 = vector.broadcast %add3A_424 : f32 to vector<16xf32>
          %add3A_426 = arith.addf %add3A_425, %mul3A_423 : vector<16xf32>
          %mul3A_427 = arith.mulf %mul3A_408, %add3A_426 : vector<16xf32>
          %add3A_428 = arith.constant 0.999999463 : f32
          %add3A_429 = vector.broadcast %add3A_428 : f32 to vector<16xf32>
          %add3A_430 = arith.addf %add3A_429, %mul3A_427 : vector<16xf32>
          %mul3A_431 = arith.mulf %unpack3A_397, %unpack3A_400 : vector<16xf32>
          %mul3A_432 = arith.mulf %mul3A_431, %add3A_430 : vector<16xf32>
          %add3A_433 = arith.addf %add3A_385, %mul3A_432 : vector<16xf32>
          %mul3A_434 = arith.constant 8 : i32
          %mul3A_435 = arith.muli %scan3A_102, %mul3A_434 : i32
          %add3A_436 = arith.constant 7 : i32
          %add3A_437 = arith.addi %mul3A_435, %add3A_436 : i32
          %add3A_438 = vector.broadcast %add3A_437 : i32 to vector<16xi32>
          %add3A_439 = arith.addi %get3A_85, %add3A_438 : vector<16xi32>
          %gather3A_440 = tpu.vector_load_idx %arg13[%add3A_81, %add3A_439] : memref<128x128xi32, #tpu.memory_space<vmem>>[vector<16xi32>, vector<16xi32>], vector<16xi32>,
          %add3A_441 = vector.broadcast %add3A_437 : i32 to vector<16xi32>
          %add3A_442 = arith.addi %get3A_90, %add3A_441 : vector<16xi32>
          %gather3A_443 = tpu.vector_load_idx %arg14[%add3A_81, %add3A_442] : memref<128x128xi32, #tpu.memory_space<vmem>>[vector<16xi32>, vector<16xi32>], vector<16xi32>,
          %bitcast3A_444 = vector.bitcast %gather3A_440 : vector<16xi32> to vector<32xbf16>
          %unpack3A_445 = tpu.unpack_subelements %bitcast3A_444, 0 {pack_format = #tpu.pack_format<interleaved>} : vector<32xbf16> -> vector<16xf32>
          %unpack3A_446 = tpu.unpack_subelements %bitcast3A_444, 1 {pack_format = #tpu.pack_format<interleaved>} : vector<32xbf16> -> vector<16xf32>
          %bitcast3A_447 = vector.bitcast %gather3A_443 : vector<16xi32> to vector<32xbf16>
          %unpack3A_448 = tpu.unpack_subelements %bitcast3A_447, 0 {pack_format = #tpu.pack_format<interleaved>} : vector<32xbf16> -> vector<16xf32>
          %unpack3A_449 = tpu.unpack_subelements %bitcast3A_447, 1 {pack_format = #tpu.pack_format<interleaved>} : vector<32xbf16> -> vector<16xf32>
          %sub3A_450 = arith.subf %unpack3A_446, %unpack3A_449 : vector<16xf32>
          %abs3A_451 = math.absf %sub3A_450 : vector<16xf32>
          %sub3A_452 = arith.constant 6.28318548 : f32
          %sub3A_453 = vector.broadcast %sub3A_452 : f32 to vector<16xf32>
          %sub3A_454 = arith.subf %sub3A_453, %abs3A_451 : vector<16xf32>
          %min3A_455 = arith.minimumf %abs3A_451, %sub3A_454 : vector<16xf32>
          %mul3A_456 = arith.mulf %min3A_455, %min3A_455 : vector<16xf32>
          %mul3A_457 = arith.constant -2.21939501E-7 : f32
          %mul3A_458 = vector.broadcast %mul3A_457 : f32 to vector<16xf32>
          %mul3A_459 = arith.mulf %mul3A_456, %mul3A_458 : vector<16xf32>
          %add3A_460 = arith.constant 2.42531933E-5 : f32
          %add3A_461 = vector.broadcast %add3A_460 : f32 to vector<16xf32>
          %add3A_462 = arith.addf %add3A_461, %mul3A_459 : vector<16xf32>
          %mul3A_463 = arith.mulf %mul3A_456, %add3A_462 : vector<16xf32>
          %add3A_464 = arith.constant -0.0013862747 : f32
          %add3A_465 = vector.broadcast %add3A_464 : f32 to vector<16xf32>
          %add3A_466 = arith.addf %add3A_465, %mul3A_463 : vector<16xf32>
          %mul3A_467 = arith.mulf %mul3A_456, %add3A_466 : vector<16xf32>
          %add3A_468 = arith.constant 0.0416610315 : f32
          %add3A_469 = vector.broadcast %add3A_468 : f32 to vector<16xf32>
          %add3A_470 = arith.addf %add3A_469, %mul3A_467 : vector<16xf32>
          %mul3A_471 = arith.mulf %mul3A_456, %add3A_470 : vector<16xf32>
          %add3A_472 = arith.constant -0.499995589 : f32
          %add3A_473 = vector.broadcast %add3A_472 : f32 to vector<16xf32>
          %add3A_474 = arith.addf %add3A_473, %mul3A_471 : vector<16xf32>
          %mul3A_475 = arith.mulf %mul3A_456, %add3A_474 : vector<16xf32>
          %add3A_476 = arith.constant 0.999999463 : f32
          %add3A_477 = vector.broadcast %add3A_476 : f32 to vector<16xf32>
          %add3A_478 = arith.addf %add3A_477, %mul3A_475 : vector<16xf32>
          %mul3A_479 = arith.mulf %unpack3A_445, %unpack3A_448 : vector<16xf32>
          %mul3A_480 = arith.mulf %mul3A_479, %add3A_478 : vector<16xf32>
          %add3A_481 = arith.addf %add3A_433, %mul3A_480 : vector<16xf32>
          scf.yield %add3A_481 : vector<16xf32>
        }
        %scan3A_97 = arith.constant 4 : i32
        %mul3A_98 = arith.constant 16 : i32
        %mul3A_99 = arith.muli %scan3A_77, %mul3A_98 : i32
        %swap3A = arith.index_cast %mul3A_23 : i32 to index
        %swap3A_100 = arith.index_cast %mul3A_99 : i32 to index
        %swap3A_101 = tpu.vector_load %arg17[%swap3A, %swap3A_100] {strides = array<i32>} : memref<24x128xf32, #tpu.memory_space<vmem>>, vector<16xf32>,
        tpu.vector_store %arg17[%swap3A, %swap3A_100], %scan3A_96 {strides = array<i32>} : memref<24x128xf32, #tpu.memory_space<vmem>>, vector<16xf32>,
      }
      %scan3A_54 = arith.constant 8 : i32
      %add3A_55 = arith.constant 2 : i32
      %add3A_56 = arith.addi %mul3A_23, %add3A_55 : i32
      %lt3A = arith.constant 24 : i32
      %lt3A_57 = arith.cmpi slt, %add3A_56, %lt3A : i32
      %convert_element_type3A = arith.extui %lt3A_57 : i1 to i32
      %cond3A = arith.constant 0 : i32
      %cond3A_58 = arith.cmpi ne, %convert_element_type3A, %cond3A : i32
      scf.if %cond3A_58 {
        %add3A_77 = arith.constant 2 : i32
        %add3A_78 = arith.addi %mul3A_23, %add3A_77 : i32
        %dma_start3A_79 = arith.constant 0 : i32
        %dma_start3A_80 = tpu.memref_slice %arg9[%add3A_78, %dma_start3A_79] : memref<24x128xi32, #tpu.memory_space<vmem>> -> memref<1x128xi32, #tpu.memory_space<vmem>>
        %dma_start3A_81 = tpu.memref_squeeze %dma_start3A_80 : memref<1x128xi32, #tpu.memory_space<vmem>> -> memref<128xi32, #tpu.memory_space<vmem>>
        %dma_start3A_82 = arith.constant 0 : i32
        %dma_start3A_83 = arith.constant 0 : i32
        %dma_start3A_84 = tpu.memref_slice %arg6[%dma_start3A_82, %dma_start3A_83] : memref<251904x128xi32, #tpu.memory_space<hbm>> -> memref<251904x128xi32, #tpu.memory_space<hbm>>
        tpu.enqueue_indirect_dma source(%dma_start3A_84 : memref<251904x128xi32, #tpu.memory_space<hbm>>) target(%arg13 : memref<128x128xi32, #tpu.memory_space<vmem>>) offsets(%dma_start3A_81 : memref<128xi32, #tpu.memory_space<vmem>>) semaphore(%arg18 : memref<!tpu.dma_semaphore, #tpu.memory_space<semaphore_mem>>)
        %dma_start3A_85 = arith.constant 0 : i32
        %dma_start3A_86 = tpu.memref_slice %arg11[%add3A_78, %dma_start3A_85] : memref<24x128xi32, #tpu.memory_space<vmem>> -> memref<1x128xi32, #tpu.memory_space<vmem>>
        %dma_start3A_87 = tpu.memref_squeeze %dma_start3A_86 : memref<1x128xi32, #tpu.memory_space<vmem>> -> memref<128xi32, #tpu.memory_space<vmem>>
        %dma_start3A_88 = arith.constant 0 : i32
        %dma_start3A_89 = arith.constant 0 : i32
        %dma_start3A_90 = tpu.memref_slice %arg7[%dma_start3A_88, %dma_start3A_89] : memref<251904x128xi32, #tpu.memory_space<hbm>> -> memref<251904x128xi32, #tpu.memory_space<hbm>>
        tpu.enqueue_indirect_dma source(%dma_start3A_90 : memref<251904x128xi32, #tpu.memory_space<hbm>>) target(%arg14 : memref<128x128xi32, #tpu.memory_space<vmem>>) offsets(%dma_start3A_87 : memref<128xi32, #tpu.memory_space<vmem>>) semaphore(%arg18 : memref<!tpu.dma_semaphore, #tpu.memory_space<semaphore_mem>>)
      } else {
      }
      %dma_wait3A_59 = arith.constant 0 : i32
      %dma_wait3A_60 = tpu.memref_slice %arg9[%add3A_25, %dma_wait3A_59] : memref<24x128xi32, #tpu.memory_space<vmem>> -> memref<1x128xi32, #tpu.memory_space<vmem>>
      %dma_wait3A_61 = tpu.memref_squeeze %dma_wait3A_60 : memref<1x128xi32, #tpu.memory_space<vmem>> -> memref<128xi32, #tpu.memory_space<vmem>>
      %dma_wait3A_62 = arith.constant 0 : i32
      %dma_wait3A_63 = arith.constant 0 : i32
      %dma_wait3A_64 = tpu.memref_slice %arg6[%dma_wait3A_62, %dma_wait3A_63] : memref<251904x128xi32, #tpu.memory_space<hbm>> -> memref<251904x128xi32, #tpu.memory_space<hbm>>
      tpu.wait_indirect_dma semaphore(%arg19 : memref<!tpu.dma_semaphore, #tpu.memory_space<semaphore_mem>>) src(%dma_wait3A_64 : memref<251904x128xi32, #tpu.memory_space<hbm>>) dst(%arg15 : memref<128x128xi32, #tpu.memory_space<vmem>>)
      %dma_wait3A_65 = arith.constant 0 : i32
      %dma_wait3A_66 = tpu.memref_slice %arg11[%add3A_25, %dma_wait3A_65] : memref<24x128xi32, #tpu.memory_space<vmem>> -> memref<1x128xi32, #tpu.memory_space<vmem>>
      %dma_wait3A_67 = tpu.memref_squeeze %dma_wait3A_66 : memref<1x128xi32, #tpu.memory_space<vmem>> -> memref<128xi32, #tpu.memory_space<vmem>>
      %dma_wait3A_68 = arith.constant 0 : i32
      %dma_wait3A_69 = arith.constant 0 : i32
      %dma_wait3A_70 = tpu.memref_slice %arg7[%dma_wait3A_68, %dma_wait3A_69] : memref<251904x128xi32, #tpu.memory_space<hbm>> -> memref<251904x128xi32, #tpu.memory_space<hbm>>
      tpu.wait_indirect_dma semaphore(%arg19 : memref<!tpu.dma_semaphore, #tpu.memory_space<semaphore_mem>>) src(%dma_wait3A_70 : memref<251904x128xi32, #tpu.memory_space<hbm>>) dst(%arg16 : memref<128x128xi32, #tpu.memory_space<vmem>>)
      %scan3A_71 = arith.constant 0 : i32
      %scan3A_72 = arith.constant 0 : i32
      %scan3A_73 = arith.constant 8 : i32
      %scan3A_74 = arith.addi %scan3A_72, %scan3A_73 : i32
      %scan3A_75 = arith.constant 1 : i32
      scf.for %scan3A_77 = %scan3A_72 to %scan3A_74 step %scan3A_75  : i32 {
        %mul3A_78 = arith.constant 16 : i32
        %mul3A_79 = arith.muli %scan3A_77, %mul3A_78 : i32
        %iota3A = tpu.iota {dimensions = array<i32: 0>} : vector<16xi32>
        %add3A_80 = vector.broadcast %mul3A_79 : i32 to vector<16xi32>
        %add3A_81 = arith.addi %add3A_80, %iota3A : vector<16xi32>
        %mul3A_82 = arith.constant 16 : i32
        %mul3A_83 = arith.muli %scan3A_77, %mul3A_82 : i32
        %get3A = arith.index_cast %add3A_25 : i32 to index
        %get3A_84 = arith.index_cast %mul3A_83 : i32 to index
        %get3A_85 = tpu.vector_load %arg10[%get3A, %get3A_84] {strides = array<i32>} : memref<24x128xi32, #tpu.memory_space<vmem>>, vector<16xi32>,
        %mul3A_86 = arith.constant 16 : i32
        %mul3A_87 = arith.muli %scan3A_77, %mul3A_86 : i32
        %get3A_88 = arith.index_cast %add3A_25 : i32 to index
        %get3A_89 = arith.index_cast %mul3A_87 : i32 to index
        %get3A_90 = tpu.vector_load %arg12[%get3A_88, %get3A_89] {strides = array<i32>} : memref<24x128xi32, #tpu.memory_space<vmem>>, vector<16xi32>,
        %broadcast_in_dim3A = arith.constant 0.000000e+00 : f32
        %broadcast_in_dim3A_91 = vector.broadcast %broadcast_in_dim3A : f32 to vector<16xf32>
        %scan3A_92 = arith.constant 0 : i32
        %scan3A_93 = arith.constant 4 : i32
        %scan3A_94 = arith.addi %scan3A_92, %scan3A_93 : i32
        %scan3A_95 = arith.constant 1 : i32
        %scan3A_96 = scf.for %scan3A_102 = %scan3A_92 to %scan3A_94 step %scan3A_95 iter_args(%scan3A_103 = %broadcast_in_dim3A_91) -> (vector<16xf32>)  : i32 {
          %mul3A_104 = arith.constant 8 : i32
          %mul3A_105 = arith.muli %scan3A_102, %mul3A_104 : i32
          %add3A_106 = arith.constant 0 : i32
          %add3A_107 = arith.addi %mul3A_105, %add3A_106 : i32
          %add3A_108 = vector.broadcast %add3A_107 : i32 to vector<16xi32>
          %add3A_109 = arith.addi %get3A_85, %add3A_108 : vector<16xi32>
          %gather3A = tpu.vector_load_idx %arg15[%add3A_81, %add3A_109] : memref<128x128xi32, #tpu.memory_space<vmem>>[vector<16xi32>, vector<16xi32>], vector<16xi32>,
          %add3A_110 = vector.broadcast %add3A_107 : i32 to vector<16xi32>
          %add3A_111 = arith.addi %get3A_90, %add3A_110 : vector<16xi32>
          %gather3A_112 = tpu.vector_load_idx %arg16[%add3A_81, %add3A_111] : memref<128x128xi32, #tpu.memory_space<vmem>>[vector<16xi32>, vector<16xi32>], vector<16xi32>,
          %bitcast3A = vector.bitcast %gather3A : vector<16xi32> to vector<32xbf16>
          %unpack3A = tpu.unpack_subelements %bitcast3A, 0 {pack_format = #tpu.pack_format<interleaved>} : vector<32xbf16> -> vector<16xf32>
          %unpack3A_113 = tpu.unpack_subelements %bitcast3A, 1 {pack_format = #tpu.pack_format<interleaved>} : vector<32xbf16> -> vector<16xf32>
          %bitcast3A_114 = vector.bitcast %gather3A_112 : vector<16xi32> to vector<32xbf16>
          %unpack3A_115 = tpu.unpack_subelements %bitcast3A_114, 0 {pack_format = #tpu.pack_format<interleaved>} : vector<32xbf16> -> vector<16xf32>
          %unpack3A_116 = tpu.unpack_subelements %bitcast3A_114, 1 {pack_format = #tpu.pack_format<interleaved>} : vector<32xbf16> -> vector<16xf32>
          %sub3A = arith.subf %unpack3A_113, %unpack3A_116 : vector<16xf32>
          %abs3A = math.absf %sub3A : vector<16xf32>
          %sub3A_117 = arith.constant 6.28318548 : f32
          %sub3A_118 = vector.broadcast %sub3A_117 : f32 to vector<16xf32>
          %sub3A_119 = arith.subf %sub3A_118, %abs3A : vector<16xf32>
          %min3A = arith.minimumf %abs3A, %sub3A_119 : vector<16xf32>
          %mul3A_120 = arith.mulf %min3A, %min3A : vector<16xf32>
          %mul3A_121 = arith.constant -2.21939501E-7 : f32
          %mul3A_122 = vector.broadcast %mul3A_121 : f32 to vector<16xf32>
          %mul3A_123 = arith.mulf %mul3A_120, %mul3A_122 : vector<16xf32>
          %add3A_124 = arith.constant 2.42531933E-5 : f32
          %add3A_125 = vector.broadcast %add3A_124 : f32 to vector<16xf32>
          %add3A_126 = arith.addf %add3A_125, %mul3A_123 : vector<16xf32>
          %mul3A_127 = arith.mulf %mul3A_120, %add3A_126 : vector<16xf32>
          %add3A_128 = arith.constant -0.0013862747 : f32
          %add3A_129 = vector.broadcast %add3A_128 : f32 to vector<16xf32>
          %add3A_130 = arith.addf %add3A_129, %mul3A_127 : vector<16xf32>
          %mul3A_131 = arith.mulf %mul3A_120, %add3A_130 : vector<16xf32>
          %add3A_132 = arith.constant 0.0416610315 : f32
          %add3A_133 = vector.broadcast %add3A_132 : f32 to vector<16xf32>
          %add3A_134 = arith.addf %add3A_133, %mul3A_131 : vector<16xf32>
          %mul3A_135 = arith.mulf %mul3A_120, %add3A_134 : vector<16xf32>
          %add3A_136 = arith.constant -0.499995589 : f32
          %add3A_137 = vector.broadcast %add3A_136 : f32 to vector<16xf32>
          %add3A_138 = arith.addf %add3A_137, %mul3A_135 : vector<16xf32>
          %mul3A_139 = arith.mulf %mul3A_120, %add3A_138 : vector<16xf32>
          %add3A_140 = arith.constant 0.999999463 : f32
          %add3A_141 = vector.broadcast %add3A_140 : f32 to vector<16xf32>
          %add3A_142 = arith.addf %add3A_141, %mul3A_139 : vector<16xf32>
          %mul3A_143 = arith.mulf %unpack3A, %unpack3A_115 : vector<16xf32>
          %mul3A_144 = arith.mulf %mul3A_143, %add3A_142 : vector<16xf32>
          %add3A_145 = arith.addf %scan3A_103, %mul3A_144 : vector<16xf32>
          %mul3A_146 = arith.constant 8 : i32
          %mul3A_147 = arith.muli %scan3A_102, %mul3A_146 : i32
          %add3A_148 = arith.constant 1 : i32
          %add3A_149 = arith.addi %mul3A_147, %add3A_148 : i32
          %add3A_150 = vector.broadcast %add3A_149 : i32 to vector<16xi32>
          %add3A_151 = arith.addi %get3A_85, %add3A_150 : vector<16xi32>
          %gather3A_152 = tpu.vector_load_idx %arg15[%add3A_81, %add3A_151] : memref<128x128xi32, #tpu.memory_space<vmem>>[vector<16xi32>, vector<16xi32>], vector<16xi32>,
          %add3A_153 = vector.broadcast %add3A_149 : i32 to vector<16xi32>
          %add3A_154 = arith.addi %get3A_90, %add3A_153 : vector<16xi32>
          %gather3A_155 = tpu.vector_load_idx %arg16[%add3A_81, %add3A_154] : memref<128x128xi32, #tpu.memory_space<vmem>>[vector<16xi32>, vector<16xi32>], vector<16xi32>,
          %bitcast3A_156 = vector.bitcast %gather3A_152 : vector<16xi32> to vector<32xbf16>
          %unpack3A_157 = tpu.unpack_subelements %bitcast3A_156, 0 {pack_format = #tpu.pack_format<interleaved>} : vector<32xbf16> -> vector<16xf32>
          %unpack3A_158 = tpu.unpack_subelements %bitcast3A_156, 1 {pack_format = #tpu.pack_format<interleaved>} : vector<32xbf16> -> vector<16xf32>
          %bitcast3A_159 = vector.bitcast %gather3A_155 : vector<16xi32> to vector<32xbf16>
          %unpack3A_160 = tpu.unpack_subelements %bitcast3A_159, 0 {pack_format = #tpu.pack_format<interleaved>} : vector<32xbf16> -> vector<16xf32>
          %unpack3A_161 = tpu.unpack_subelements %bitcast3A_159, 1 {pack_format = #tpu.pack_format<interleaved>} : vector<32xbf16> -> vector<16xf32>
          %sub3A_162 = arith.subf %unpack3A_158, %unpack3A_161 : vector<16xf32>
          %abs3A_163 = math.absf %sub3A_162 : vector<16xf32>
          %sub3A_164 = arith.constant 6.28318548 : f32
          %sub3A_165 = vector.broadcast %sub3A_164 : f32 to vector<16xf32>
          %sub3A_166 = arith.subf %sub3A_165, %abs3A_163 : vector<16xf32>
          %min3A_167 = arith.minimumf %abs3A_163, %sub3A_166 : vector<16xf32>
          %mul3A_168 = arith.mulf %min3A_167, %min3A_167 : vector<16xf32>
          %mul3A_169 = arith.constant -2.21939501E-7 : f32
          %mul3A_170 = vector.broadcast %mul3A_169 : f32 to vector<16xf32>
          %mul3A_171 = arith.mulf %mul3A_168, %mul3A_170 : vector<16xf32>
          %add3A_172 = arith.constant 2.42531933E-5 : f32
          %add3A_173 = vector.broadcast %add3A_172 : f32 to vector<16xf32>
          %add3A_174 = arith.addf %add3A_173, %mul3A_171 : vector<16xf32>
          %mul3A_175 = arith.mulf %mul3A_168, %add3A_174 : vector<16xf32>
          %add3A_176 = arith.constant -0.0013862747 : f32
          %add3A_177 = vector.broadcast %add3A_176 : f32 to vector<16xf32>
          %add3A_178 = arith.addf %add3A_177, %mul3A_175 : vector<16xf32>
          %mul3A_179 = arith.mulf %mul3A_168, %add3A_178 : vector<16xf32>
          %add3A_180 = arith.constant 0.0416610315 : f32
          %add3A_181 = vector.broadcast %add3A_180 : f32 to vector<16xf32>
          %add3A_182 = arith.addf %add3A_181, %mul3A_179 : vector<16xf32>
          %mul3A_183 = arith.mulf %mul3A_168, %add3A_182 : vector<16xf32>
          %add3A_184 = arith.constant -0.499995589 : f32
          %add3A_185 = vector.broadcast %add3A_184 : f32 to vector<16xf32>
          %add3A_186 = arith.addf %add3A_185, %mul3A_183 : vector<16xf32>
          %mul3A_187 = arith.mulf %mul3A_168, %add3A_186 : vector<16xf32>
          %add3A_188 = arith.constant 0.999999463 : f32
          %add3A_189 = vector.broadcast %add3A_188 : f32 to vector<16xf32>
          %add3A_190 = arith.addf %add3A_189, %mul3A_187 : vector<16xf32>
          %mul3A_191 = arith.mulf %unpack3A_157, %unpack3A_160 : vector<16xf32>
          %mul3A_192 = arith.mulf %mul3A_191, %add3A_190 : vector<16xf32>
          %add3A_193 = arith.addf %add3A_145, %mul3A_192 : vector<16xf32>
          %mul3A_194 = arith.constant 8 : i32
          %mul3A_195 = arith.muli %scan3A_102, %mul3A_194 : i32
          %add3A_196 = arith.constant 2 : i32
          %add3A_197 = arith.addi %mul3A_195, %add3A_196 : i32
          %add3A_198 = vector.broadcast %add3A_197 : i32 to vector<16xi32>
          %add3A_199 = arith.addi %get3A_85, %add3A_198 : vector<16xi32>
          %gather3A_200 = tpu.vector_load_idx %arg15[%add3A_81, %add3A_199] : memref<128x128xi32, #tpu.memory_space<vmem>>[vector<16xi32>, vector<16xi32>], vector<16xi32>,
          %add3A_201 = vector.broadcast %add3A_197 : i32 to vector<16xi32>
          %add3A_202 = arith.addi %get3A_90, %add3A_201 : vector<16xi32>
          %gather3A_203 = tpu.vector_load_idx %arg16[%add3A_81, %add3A_202] : memref<128x128xi32, #tpu.memory_space<vmem>>[vector<16xi32>, vector<16xi32>], vector<16xi32>,
          %bitcast3A_204 = vector.bitcast %gather3A_200 : vector<16xi32> to vector<32xbf16>
          %unpack3A_205 = tpu.unpack_subelements %bitcast3A_204, 0 {pack_format = #tpu.pack_format<interleaved>} : vector<32xbf16> -> vector<16xf32>
          %unpack3A_206 = tpu.unpack_subelements %bitcast3A_204, 1 {pack_format = #tpu.pack_format<interleaved>} : vector<32xbf16> -> vector<16xf32>
          %bitcast3A_207 = vector.bitcast %gather3A_203 : vector<16xi32> to vector<32xbf16>
          %unpack3A_208 = tpu.unpack_subelements %bitcast3A_207, 0 {pack_format = #tpu.pack_format<interleaved>} : vector<32xbf16> -> vector<16xf32>
          %unpack3A_209 = tpu.unpack_subelements %bitcast3A_207, 1 {pack_format = #tpu.pack_format<interleaved>} : vector<32xbf16> -> vector<16xf32>
          %sub3A_210 = arith.subf %unpack3A_206, %unpack3A_209 : vector<16xf32>
          %abs3A_211 = math.absf %sub3A_210 : vector<16xf32>
          %sub3A_212 = arith.constant 6.28318548 : f32
          %sub3A_213 = vector.broadcast %sub3A_212 : f32 to vector<16xf32>
          %sub3A_214 = arith.subf %sub3A_213, %abs3A_211 : vector<16xf32>
          %min3A_215 = arith.minimumf %abs3A_211, %sub3A_214 : vector<16xf32>
          %mul3A_216 = arith.mulf %min3A_215, %min3A_215 : vector<16xf32>
          %mul3A_217 = arith.constant -2.21939501E-7 : f32
          %mul3A_218 = vector.broadcast %mul3A_217 : f32 to vector<16xf32>
          %mul3A_219 = arith.mulf %mul3A_216, %mul3A_218 : vector<16xf32>
          %add3A_220 = arith.constant 2.42531933E-5 : f32
          %add3A_221 = vector.broadcast %add3A_220 : f32 to vector<16xf32>
          %add3A_222 = arith.addf %add3A_221, %mul3A_219 : vector<16xf32>
          %mul3A_223 = arith.mulf %mul3A_216, %add3A_222 : vector<16xf32>
          %add3A_224 = arith.constant -0.0013862747 : f32
          %add3A_225 = vector.broadcast %add3A_224 : f32 to vector<16xf32>
          %add3A_226 = arith.addf %add3A_225, %mul3A_223 : vector<16xf32>
          %mul3A_227 = arith.mulf %mul3A_216, %add3A_226 : vector<16xf32>
          %add3A_228 = arith.constant 0.0416610315 : f32
          %add3A_229 = vector.broadcast %add3A_228 : f32 to vector<16xf32>
          %add3A_230 = arith.addf %add3A_229, %mul3A_227 : vector<16xf32>
          %mul3A_231 = arith.mulf %mul3A_216, %add3A_230 : vector<16xf32>
          %add3A_232 = arith.constant -0.499995589 : f32
          %add3A_233 = vector.broadcast %add3A_232 : f32 to vector<16xf32>
          %add3A_234 = arith.addf %add3A_233, %mul3A_231 : vector<16xf32>
          %mul3A_235 = arith.mulf %mul3A_216, %add3A_234 : vector<16xf32>
          %add3A_236 = arith.constant 0.999999463 : f32
          %add3A_237 = vector.broadcast %add3A_236 : f32 to vector<16xf32>
          %add3A_238 = arith.addf %add3A_237, %mul3A_235 : vector<16xf32>
          %mul3A_239 = arith.mulf %unpack3A_205, %unpack3A_208 : vector<16xf32>
          %mul3A_240 = arith.mulf %mul3A_239, %add3A_238 : vector<16xf32>
          %add3A_241 = arith.addf %add3A_193, %mul3A_240 : vector<16xf32>
          %mul3A_242 = arith.constant 8 : i32
          %mul3A_243 = arith.muli %scan3A_102, %mul3A_242 : i32
          %add3A_244 = arith.constant 3 : i32
          %add3A_245 = arith.addi %mul3A_243, %add3A_244 : i32
          %add3A_246 = vector.broadcast %add3A_245 : i32 to vector<16xi32>
          %add3A_247 = arith.addi %get3A_85, %add3A_246 : vector<16xi32>
          %gather3A_248 = tpu.vector_load_idx %arg15[%add3A_81, %add3A_247] : memref<128x128xi32, #tpu.memory_space<vmem>>[vector<16xi32>, vector<16xi32>], vector<16xi32>,
          %add3A_249 = vector.broadcast %add3A_245 : i32 to vector<16xi32>
          %add3A_250 = arith.addi %get3A_90, %add3A_249 : vector<16xi32>
          %gather3A_251 = tpu.vector_load_idx %arg16[%add3A_81, %add3A_250] : memref<128x128xi32, #tpu.memory_space<vmem>>[vector<16xi32>, vector<16xi32>], vector<16xi32>,
          %bitcast3A_252 = vector.bitcast %gather3A_248 : vector<16xi32> to vector<32xbf16>
          %unpack3A_253 = tpu.unpack_subelements %bitcast3A_252, 0 {pack_format = #tpu.pack_format<interleaved>} : vector<32xbf16> -> vector<16xf32>
          %unpack3A_254 = tpu.unpack_subelements %bitcast3A_252, 1 {pack_format = #tpu.pack_format<interleaved>} : vector<32xbf16> -> vector<16xf32>
          %bitcast3A_255 = vector.bitcast %gather3A_251 : vector<16xi32> to vector<32xbf16>
          %unpack3A_256 = tpu.unpack_subelements %bitcast3A_255, 0 {pack_format = #tpu.pack_format<interleaved>} : vector<32xbf16> -> vector<16xf32>
          %unpack3A_257 = tpu.unpack_subelements %bitcast3A_255, 1 {pack_format = #tpu.pack_format<interleaved>} : vector<32xbf16> -> vector<16xf32>
          %sub3A_258 = arith.subf %unpack3A_254, %unpack3A_257 : vector<16xf32>
          %abs3A_259 = math.absf %sub3A_258 : vector<16xf32>
          %sub3A_260 = arith.constant 6.28318548 : f32
          %sub3A_261 = vector.broadcast %sub3A_260 : f32 to vector<16xf32>
          %sub3A_262 = arith.subf %sub3A_261, %abs3A_259 : vector<16xf32>
          %min3A_263 = arith.minimumf %abs3A_259, %sub3A_262 : vector<16xf32>
          %mul3A_264 = arith.mulf %min3A_263, %min3A_263 : vector<16xf32>
          %mul3A_265 = arith.constant -2.21939501E-7 : f32
          %mul3A_266 = vector.broadcast %mul3A_265 : f32 to vector<16xf32>
          %mul3A_267 = arith.mulf %mul3A_264, %mul3A_266 : vector<16xf32>
          %add3A_268 = arith.constant 2.42531933E-5 : f32
          %add3A_269 = vector.broadcast %add3A_268 : f32 to vector<16xf32>
          %add3A_270 = arith.addf %add3A_269, %mul3A_267 : vector<16xf32>
          %mul3A_271 = arith.mulf %mul3A_264, %add3A_270 : vector<16xf32>
          %add3A_272 = arith.constant -0.0013862747 : f32
          %add3A_273 = vector.broadcast %add3A_272 : f32 to vector<16xf32>
          %add3A_274 = arith.addf %add3A_273, %mul3A_271 : vector<16xf32>
          %mul3A_275 = arith.mulf %mul3A_264, %add3A_274 : vector<16xf32>
          %add3A_276 = arith.constant 0.0416610315 : f32
          %add3A_277 = vector.broadcast %add3A_276 : f32 to vector<16xf32>
          %add3A_278 = arith.addf %add3A_277, %mul3A_275 : vector<16xf32>
          %mul3A_279 = arith.mulf %mul3A_264, %add3A_278 : vector<16xf32>
          %add3A_280 = arith.constant -0.499995589 : f32
          %add3A_281 = vector.broadcast %add3A_280 : f32 to vector<16xf32>
          %add3A_282 = arith.addf %add3A_281, %mul3A_279 : vector<16xf32>
          %mul3A_283 = arith.mulf %mul3A_264, %add3A_282 : vector<16xf32>
          %add3A_284 = arith.constant 0.999999463 : f32
          %add3A_285 = vector.broadcast %add3A_284 : f32 to vector<16xf32>
          %add3A_286 = arith.addf %add3A_285, %mul3A_283 : vector<16xf32>
          %mul3A_287 = arith.mulf %unpack3A_253, %unpack3A_256 : vector<16xf32>
          %mul3A_288 = arith.mulf %mul3A_287, %add3A_286 : vector<16xf32>
          %add3A_289 = arith.addf %add3A_241, %mul3A_288 : vector<16xf32>
          %mul3A_290 = arith.constant 8 : i32
          %mul3A_291 = arith.muli %scan3A_102, %mul3A_290 : i32
          %add3A_292 = arith.constant 4 : i32
          %add3A_293 = arith.addi %mul3A_291, %add3A_292 : i32
          %add3A_294 = vector.broadcast %add3A_293 : i32 to vector<16xi32>
          %add3A_295 = arith.addi %get3A_85, %add3A_294 : vector<16xi32>
          %gather3A_296 = tpu.vector_load_idx %arg15[%add3A_81, %add3A_295] : memref<128x128xi32, #tpu.memory_space<vmem>>[vector<16xi32>, vector<16xi32>], vector<16xi32>,
          %add3A_297 = vector.broadcast %add3A_293 : i32 to vector<16xi32>
          %add3A_298 = arith.addi %get3A_90, %add3A_297 : vector<16xi32>
          %gather3A_299 = tpu.vector_load_idx %arg16[%add3A_81, %add3A_298] : memref<128x128xi32, #tpu.memory_space<vmem>>[vector<16xi32>, vector<16xi32>], vector<16xi32>,
          %bitcast3A_300 = vector.bitcast %gather3A_296 : vector<16xi32> to vector<32xbf16>
          %unpack3A_301 = tpu.unpack_subelements %bitcast3A_300, 0 {pack_format = #tpu.pack_format<interleaved>} : vector<32xbf16> -> vector<16xf32>
          %unpack3A_302 = tpu.unpack_subelements %bitcast3A_300, 1 {pack_format = #tpu.pack_format<interleaved>} : vector<32xbf16> -> vector<16xf32>
          %bitcast3A_303 = vector.bitcast %gather3A_299 : vector<16xi32> to vector<32xbf16>
          %unpack3A_304 = tpu.unpack_subelements %bitcast3A_303, 0 {pack_format = #tpu.pack_format<interleaved>} : vector<32xbf16> -> vector<16xf32>
          %unpack3A_305 = tpu.unpack_subelements %bitcast3A_303, 1 {pack_format = #tpu.pack_format<interleaved>} : vector<32xbf16> -> vector<16xf32>
          %sub3A_306 = arith.subf %unpack3A_302, %unpack3A_305 : vector<16xf32>
          %abs3A_307 = math.absf %sub3A_306 : vector<16xf32>
          %sub3A_308 = arith.constant 6.28318548 : f32
          %sub3A_309 = vector.broadcast %sub3A_308 : f32 to vector<16xf32>
          %sub3A_310 = arith.subf %sub3A_309, %abs3A_307 : vector<16xf32>
          %min3A_311 = arith.minimumf %abs3A_307, %sub3A_310 : vector<16xf32>
          %mul3A_312 = arith.mulf %min3A_311, %min3A_311 : vector<16xf32>
          %mul3A_313 = arith.constant -2.21939501E-7 : f32
          %mul3A_314 = vector.broadcast %mul3A_313 : f32 to vector<16xf32>
          %mul3A_315 = arith.mulf %mul3A_312, %mul3A_314 : vector<16xf32>
          %add3A_316 = arith.constant 2.42531933E-5 : f32
          %add3A_317 = vector.broadcast %add3A_316 : f32 to vector<16xf32>
          %add3A_318 = arith.addf %add3A_317, %mul3A_315 : vector<16xf32>
          %mul3A_319 = arith.mulf %mul3A_312, %add3A_318 : vector<16xf32>
          %add3A_320 = arith.constant -0.0013862747 : f32
          %add3A_321 = vector.broadcast %add3A_320 : f32 to vector<16xf32>
          %add3A_322 = arith.addf %add3A_321, %mul3A_319 : vector<16xf32>
          %mul3A_323 = arith.mulf %mul3A_312, %add3A_322 : vector<16xf32>
          %add3A_324 = arith.constant 0.0416610315 : f32
          %add3A_325 = vector.broadcast %add3A_324 : f32 to vector<16xf32>
          %add3A_326 = arith.addf %add3A_325, %mul3A_323 : vector<16xf32>
          %mul3A_327 = arith.mulf %mul3A_312, %add3A_326 : vector<16xf32>
          %add3A_328 = arith.constant -0.499995589 : f32
          %add3A_329 = vector.broadcast %add3A_328 : f32 to vector<16xf32>
          %add3A_330 = arith.addf %add3A_329, %mul3A_327 : vector<16xf32>
          %mul3A_331 = arith.mulf %mul3A_312, %add3A_330 : vector<16xf32>
          %add3A_332 = arith.constant 0.999999463 : f32
          %add3A_333 = vector.broadcast %add3A_332 : f32 to vector<16xf32>
          %add3A_334 = arith.addf %add3A_333, %mul3A_331 : vector<16xf32>
          %mul3A_335 = arith.mulf %unpack3A_301, %unpack3A_304 : vector<16xf32>
          %mul3A_336 = arith.mulf %mul3A_335, %add3A_334 : vector<16xf32>
          %add3A_337 = arith.addf %add3A_289, %mul3A_336 : vector<16xf32>
          %mul3A_338 = arith.constant 8 : i32
          %mul3A_339 = arith.muli %scan3A_102, %mul3A_338 : i32
          %add3A_340 = arith.constant 5 : i32
          %add3A_341 = arith.addi %mul3A_339, %add3A_340 : i32
          %add3A_342 = vector.broadcast %add3A_341 : i32 to vector<16xi32>
          %add3A_343 = arith.addi %get3A_85, %add3A_342 : vector<16xi32>
          %gather3A_344 = tpu.vector_load_idx %arg15[%add3A_81, %add3A_343] : memref<128x128xi32, #tpu.memory_space<vmem>>[vector<16xi32>, vector<16xi32>], vector<16xi32>,
          %add3A_345 = vector.broadcast %add3A_341 : i32 to vector<16xi32>
          %add3A_346 = arith.addi %get3A_90, %add3A_345 : vector<16xi32>
          %gather3A_347 = tpu.vector_load_idx %arg16[%add3A_81, %add3A_346] : memref<128x128xi32, #tpu.memory_space<vmem>>[vector<16xi32>, vector<16xi32>], vector<16xi32>,
          %bitcast3A_348 = vector.bitcast %gather3A_344 : vector<16xi32> to vector<32xbf16>
          %unpack3A_349 = tpu.unpack_subelements %bitcast3A_348, 0 {pack_format = #tpu.pack_format<interleaved>} : vector<32xbf16> -> vector<16xf32>
          %unpack3A_350 = tpu.unpack_subelements %bitcast3A_348, 1 {pack_format = #tpu.pack_format<interleaved>} : vector<32xbf16> -> vector<16xf32>
          %bitcast3A_351 = vector.bitcast %gather3A_347 : vector<16xi32> to vector<32xbf16>
          %unpack3A_352 = tpu.unpack_subelements %bitcast3A_351, 0 {pack_format = #tpu.pack_format<interleaved>} : vector<32xbf16> -> vector<16xf32>
          %unpack3A_353 = tpu.unpack_subelements %bitcast3A_351, 1 {pack_format = #tpu.pack_format<interleaved>} : vector<32xbf16> -> vector<16xf32>
          %sub3A_354 = arith.subf %unpack3A_350, %unpack3A_353 : vector<16xf32>
          %abs3A_355 = math.absf %sub3A_354 : vector<16xf32>
          %sub3A_356 = arith.constant 6.28318548 : f32
          %sub3A_357 = vector.broadcast %sub3A_356 : f32 to vector<16xf32>
          %sub3A_358 = arith.subf %sub3A_357, %abs3A_355 : vector<16xf32>
          %min3A_359 = arith.minimumf %abs3A_355, %sub3A_358 : vector<16xf32>
          %mul3A_360 = arith.mulf %min3A_359, %min3A_359 : vector<16xf32>
          %mul3A_361 = arith.constant -2.21939501E-7 : f32
          %mul3A_362 = vector.broadcast %mul3A_361 : f32 to vector<16xf32>
          %mul3A_363 = arith.mulf %mul3A_360, %mul3A_362 : vector<16xf32>
          %add3A_364 = arith.constant 2.42531933E-5 : f32
          %add3A_365 = vector.broadcast %add3A_364 : f32 to vector<16xf32>
          %add3A_366 = arith.addf %add3A_365, %mul3A_363 : vector<16xf32>
          %mul3A_367 = arith.mulf %mul3A_360, %add3A_366 : vector<16xf32>
          %add3A_368 = arith.constant -0.0013862747 : f32
          %add3A_369 = vector.broadcast %add3A_368 : f32 to vector<16xf32>
          %add3A_370 = arith.addf %add3A_369, %mul3A_367 : vector<16xf32>
          %mul3A_371 = arith.mulf %mul3A_360, %add3A_370 : vector<16xf32>
          %add3A_372 = arith.constant 0.0416610315 : f32
          %add3A_373 = vector.broadcast %add3A_372 : f32 to vector<16xf32>
          %add3A_374 = arith.addf %add3A_373, %mul3A_371 : vector<16xf32>
          %mul3A_375 = arith.mulf %mul3A_360, %add3A_374 : vector<16xf32>
          %add3A_376 = arith.constant -0.499995589 : f32
          %add3A_377 = vector.broadcast %add3A_376 : f32 to vector<16xf32>
          %add3A_378 = arith.addf %add3A_377, %mul3A_375 : vector<16xf32>
          %mul3A_379 = arith.mulf %mul3A_360, %add3A_378 : vector<16xf32>
          %add3A_380 = arith.constant 0.999999463 : f32
          %add3A_381 = vector.broadcast %add3A_380 : f32 to vector<16xf32>
          %add3A_382 = arith.addf %add3A_381, %mul3A_379 : vector<16xf32>
          %mul3A_383 = arith.mulf %unpack3A_349, %unpack3A_352 : vector<16xf32>
          %mul3A_384 = arith.mulf %mul3A_383, %add3A_382 : vector<16xf32>
          %add3A_385 = arith.addf %add3A_337, %mul3A_384 : vector<16xf32>
          %mul3A_386 = arith.constant 8 : i32
          %mul3A_387 = arith.muli %scan3A_102, %mul3A_386 : i32
          %add3A_388 = arith.constant 6 : i32
          %add3A_389 = arith.addi %mul3A_387, %add3A_388 : i32
          %add3A_390 = vector.broadcast %add3A_389 : i32 to vector<16xi32>
          %add3A_391 = arith.addi %get3A_85, %add3A_390 : vector<16xi32>
          %gather3A_392 = tpu.vector_load_idx %arg15[%add3A_81, %add3A_391] : memref<128x128xi32, #tpu.memory_space<vmem>>[vector<16xi32>, vector<16xi32>], vector<16xi32>,
          %add3A_393 = vector.broadcast %add3A_389 : i32 to vector<16xi32>
          %add3A_394 = arith.addi %get3A_90, %add3A_393 : vector<16xi32>
          %gather3A_395 = tpu.vector_load_idx %arg16[%add3A_81, %add3A_394] : memref<128x128xi32, #tpu.memory_space<vmem>>[vector<16xi32>, vector<16xi32>], vector<16xi32>,
          %bitcast3A_396 = vector.bitcast %gather3A_392 : vector<16xi32> to vector<32xbf16>
          %unpack3A_397 = tpu.unpack_subelements %bitcast3A_396, 0 {pack_format = #tpu.pack_format<interleaved>} : vector<32xbf16> -> vector<16xf32>
          %unpack3A_398 = tpu.unpack_subelements %bitcast3A_396, 1 {pack_format = #tpu.pack_format<interleaved>} : vector<32xbf16> -> vector<16xf32>
          %bitcast3A_399 = vector.bitcast %gather3A_395 : vector<16xi32> to vector<32xbf16>
          %unpack3A_400 = tpu.unpack_subelements %bitcast3A_399, 0 {pack_format = #tpu.pack_format<interleaved>} : vector<32xbf16> -> vector<16xf32>
          %unpack3A_401 = tpu.unpack_subelements %bitcast3A_399, 1 {pack_format = #tpu.pack_format<interleaved>} : vector<32xbf16> -> vector<16xf32>
          %sub3A_402 = arith.subf %unpack3A_398, %unpack3A_401 : vector<16xf32>
          %abs3A_403 = math.absf %sub3A_402 : vector<16xf32>
          %sub3A_404 = arith.constant 6.28318548 : f32
          %sub3A_405 = vector.broadcast %sub3A_404 : f32 to vector<16xf32>
          %sub3A_406 = arith.subf %sub3A_405, %abs3A_403 : vector<16xf32>
          %min3A_407 = arith.minimumf %abs3A_403, %sub3A_406 : vector<16xf32>
          %mul3A_408 = arith.mulf %min3A_407, %min3A_407 : vector<16xf32>
          %mul3A_409 = arith.constant -2.21939501E-7 : f32
          %mul3A_410 = vector.broadcast %mul3A_409 : f32 to vector<16xf32>
          %mul3A_411 = arith.mulf %mul3A_408, %mul3A_410 : vector<16xf32>
          %add3A_412 = arith.constant 2.42531933E-5 : f32
          %add3A_413 = vector.broadcast %add3A_412 : f32 to vector<16xf32>
          %add3A_414 = arith.addf %add3A_413, %mul3A_411 : vector<16xf32>
          %mul3A_415 = arith.mulf %mul3A_408, %add3A_414 : vector<16xf32>
          %add3A_416 = arith.constant -0.0013862747 : f32
          %add3A_417 = vector.broadcast %add3A_416 : f32 to vector<16xf32>
          %add3A_418 = arith.addf %add3A_417, %mul3A_415 : vector<16xf32>
          %mul3A_419 = arith.mulf %mul3A_408, %add3A_418 : vector<16xf32>
          %add3A_420 = arith.constant 0.0416610315 : f32
          %add3A_421 = vector.broadcast %add3A_420 : f32 to vector<16xf32>
          %add3A_422 = arith.addf %add3A_421, %mul3A_419 : vector<16xf32>
          %mul3A_423 = arith.mulf %mul3A_408, %add3A_422 : vector<16xf32>
          %add3A_424 = arith.constant -0.499995589 : f32
          %add3A_425 = vector.broadcast %add3A_424 : f32 to vector<16xf32>
          %add3A_426 = arith.addf %add3A_425, %mul3A_423 : vector<16xf32>
          %mul3A_427 = arith.mulf %mul3A_408, %add3A_426 : vector<16xf32>
          %add3A_428 = arith.constant 0.999999463 : f32
          %add3A_429 = vector.broadcast %add3A_428 : f32 to vector<16xf32>
          %add3A_430 = arith.addf %add3A_429, %mul3A_427 : vector<16xf32>
          %mul3A_431 = arith.mulf %unpack3A_397, %unpack3A_400 : vector<16xf32>
          %mul3A_432 = arith.mulf %mul3A_431, %add3A_430 : vector<16xf32>
          %add3A_433 = arith.addf %add3A_385, %mul3A_432 : vector<16xf32>
          %mul3A_434 = arith.constant 8 : i32
          %mul3A_435 = arith.muli %scan3A_102, %mul3A_434 : i32
          %add3A_436 = arith.constant 7 : i32
          %add3A_437 = arith.addi %mul3A_435, %add3A_436 : i32
          %add3A_438 = vector.broadcast %add3A_437 : i32 to vector<16xi32>
          %add3A_439 = arith.addi %get3A_85, %add3A_438 : vector<16xi32>
          %gather3A_440 = tpu.vector_load_idx %arg15[%add3A_81, %add3A_439] : memref<128x128xi32, #tpu.memory_space<vmem>>[vector<16xi32>, vector<16xi32>], vector<16xi32>,
          %add3A_441 = vector.broadcast %add3A_437 : i32 to vector<16xi32>
          %add3A_442 = arith.addi %get3A_90, %add3A_441 : vector<16xi32>
          %gather3A_443 = tpu.vector_load_idx %arg16[%add3A_81, %add3A_442] : memref<128x128xi32, #tpu.memory_space<vmem>>[vector<16xi32>, vector<16xi32>], vector<16xi32>,
          %bitcast3A_444 = vector.bitcast %gather3A_440 : vector<16xi32> to vector<32xbf16>
          %unpack3A_445 = tpu.unpack_subelements %bitcast3A_444, 0 {pack_format = #tpu.pack_format<interleaved>} : vector<32xbf16> -> vector<16xf32>
          %unpack3A_446 = tpu.unpack_subelements %bitcast3A_444, 1 {pack_format = #tpu.pack_format<interleaved>} : vector<32xbf16> -> vector<16xf32>
          %bitcast3A_447 = vector.bitcast %gather3A_443 : vector<16xi32> to vector<32xbf16>
          %unpack3A_448 = tpu.unpack_subelements %bitcast3A_447, 0 {pack_format = #tpu.pack_format<interleaved>} : vector<32xbf16> -> vector<16xf32>
          %unpack3A_449 = tpu.unpack_subelements %bitcast3A_447, 1 {pack_format = #tpu.pack_format<interleaved>} : vector<32xbf16> -> vector<16xf32>
          %sub3A_450 = arith.subf %unpack3A_446, %unpack3A_449 : vector<16xf32>
          %abs3A_451 = math.absf %sub3A_450 : vector<16xf32>
          %sub3A_452 = arith.constant 6.28318548 : f32
          %sub3A_453 = vector.broadcast %sub3A_452 : f32 to vector<16xf32>
          %sub3A_454 = arith.subf %sub3A_453, %abs3A_451 : vector<16xf32>
          %min3A_455 = arith.minimumf %abs3A_451, %sub3A_454 : vector<16xf32>
          %mul3A_456 = arith.mulf %min3A_455, %min3A_455 : vector<16xf32>
          %mul3A_457 = arith.constant -2.21939501E-7 : f32
          %mul3A_458 = vector.broadcast %mul3A_457 : f32 to vector<16xf32>
          %mul3A_459 = arith.mulf %mul3A_456, %mul3A_458 : vector<16xf32>
          %add3A_460 = arith.constant 2.42531933E-5 : f32
          %add3A_461 = vector.broadcast %add3A_460 : f32 to vector<16xf32>
          %add3A_462 = arith.addf %add3A_461, %mul3A_459 : vector<16xf32>
          %mul3A_463 = arith.mulf %mul3A_456, %add3A_462 : vector<16xf32>
          %add3A_464 = arith.constant -0.0013862747 : f32
          %add3A_465 = vector.broadcast %add3A_464 : f32 to vector<16xf32>
          %add3A_466 = arith.addf %add3A_465, %mul3A_463 : vector<16xf32>
          %mul3A_467 = arith.mulf %mul3A_456, %add3A_466 : vector<16xf32>
          %add3A_468 = arith.constant 0.0416610315 : f32
          %add3A_469 = vector.broadcast %add3A_468 : f32 to vector<16xf32>
          %add3A_470 = arith.addf %add3A_469, %mul3A_467 : vector<16xf32>
          %mul3A_471 = arith.mulf %mul3A_456, %add3A_470 : vector<16xf32>
          %add3A_472 = arith.constant -0.499995589 : f32
          %add3A_473 = vector.broadcast %add3A_472 : f32 to vector<16xf32>
          %add3A_474 = arith.addf %add3A_473, %mul3A_471 : vector<16xf32>
          %mul3A_475 = arith.mulf %mul3A_456, %add3A_474 : vector<16xf32>
          %add3A_476 = arith.constant 0.999999463 : f32
          %add3A_477 = vector.broadcast %add3A_476 : f32 to vector<16xf32>
          %add3A_478 = arith.addf %add3A_477, %mul3A_475 : vector<16xf32>
          %mul3A_479 = arith.mulf %unpack3A_445, %unpack3A_448 : vector<16xf32>
          %mul3A_480 = arith.mulf %mul3A_479, %add3A_478 : vector<16xf32>
          %add3A_481 = arith.addf %add3A_433, %mul3A_480 : vector<16xf32>
          scf.yield %add3A_481 : vector<16xf32>
        }
        %scan3A_97 = arith.constant 4 : i32
        %mul3A_98 = arith.constant 16 : i32
        %mul3A_99 = arith.muli %scan3A_77, %mul3A_98 : i32
        %swap3A = arith.index_cast %add3A_25 : i32 to index
        %swap3A_100 = arith.index_cast %mul3A_99 : i32 to index
        %swap3A_101 = tpu.vector_load %arg17[%swap3A, %swap3A_100] {strides = array<i32>} : memref<24x128xf32, #tpu.memory_space<vmem>>, vector<16xf32>,
        tpu.vector_store %arg17[%swap3A, %swap3A_100], %scan3A_96 {strides = array<i32>} : memref<24x128xf32, #tpu.memory_space<vmem>>, vector<16xf32>,
      }
      %scan3A_76 = arith.constant 8 : i32
    }
    %scan3A_20 = arith.constant 12 : i32
    "tpu.region"() ({
      %run_scoped3A = tpu.sem_alloc : memref<!tpu.dma_semaphore, #tpu.memory_space<semaphore_mem>>
      %dma_start3A_21 = arith.constant 0 : i32
      %dma_start3A_22 = tpu.memref_slice %arg8[%mul3A_2, %dma_start3A_21] : memref<768x128xf32, #tpu.memory_space<hbm>> -> memref<24x128xf32, #tpu.memory_space<hbm>>
      %dma_start3A_23 = arith.constant 0 : i32
      %dma_start3A_24 = tpu.memref_slice %arg8[%mul3A_2, %dma_start3A_23] : memref<768x128xf32, #tpu.memory_space<hbm>> -> memref<24x128xf32, #tpu.memory_space<hbm>>
      tpu.enqueue_dma source(%arg17 : memref<24x128xf32, #tpu.memory_space<vmem>>) target(%dma_start3A_24 : memref<24x128xf32, #tpu.memory_space<hbm>>) target_semaphore(%run_scoped3A : memref<!tpu.dma_semaphore, #tpu.memory_space<semaphore_mem>>)
      %dma_wait3A = arith.constant 0 : i32
      %dma_wait3A_25 = tpu.memref_slice %arg8[%mul3A_2, %dma_wait3A] : memref<768x128xf32, #tpu.memory_space<hbm>> -> memref<24x128xf32, #tpu.memory_space<hbm>>
      %dma_wait3A_26 = arith.constant 0 : i32
      %dma_wait3A_27 = tpu.memref_slice %arg8[%mul3A_2, %dma_wait3A_26] : memref<768x128xf32, #tpu.memory_space<hbm>> -> memref<24x128xf32, #tpu.memory_space<hbm>>
      tpu.wait_dma2 semaphore(%run_scoped3A : memref<!tpu.dma_semaphore, #tpu.memory_space<semaphore_mem>>) src(%arg17 : memref<24x128xf32, #tpu.memory_space<vmem>>) dst(%dma_wait3A_27 : memref<24x128xf32, #tpu.memory_space<hbm>>)
      tpu.yield
    }) : () -> ()
    return
  }
}

module attributes {stable_mosaic.version = 14 : i64} {
  func.func @_tc_loss_body(%arg0: memref<768x128xf32, #tpu.memory_space<vmem>>, %arg1: memref<1x1xf32, #tpu.memory_space<vmem>>) attributes {dimension_semantics = [], scalar_prefetch = 0 : i64, scratch_operands = 0 : i64, tpu.core_type = #tpu.core_type<tc>} {
    %get3A = arith.constant 0 : index
    %get3A_0 = arith.constant 0 : index
    %get3A_1 = vector.load %arg0[%get3A, %get3A_0] : memref<768x128xf32, #tpu.memory_space<vmem>>, vector<768x128xf32>
    %iota3A = tpu.iota {dimensions = array<i32: 0>} : vector<768x128xi32>
    %lt3A = arith.constant 128 : i32
    %lt3A_2 = vector.broadcast %lt3A : i32 to vector<768x128xi32>
    %lt3A_3 = arith.cmpi slt, %iota3A, %lt3A_2 : vector<768x128xi32>
    %neg3A = arith.constant 0.000000e+00 : f32
    %neg3A_4 = vector.broadcast %neg3A : f32 to vector<768x128xf32>
    %neg3A_5 = arith.subf %neg3A_4, %get3A_1 : vector<768x128xf32>
    %select_n3A = arith.select %lt3A_3, %get3A_1, %neg3A_5 : vector<768x128xi1>, vector<768x128xf32>
    %min3A = arith.constant 0.000000e+00 : f32
    %min3A_6 = vector.broadcast %min3A : f32 to vector<768x128xf32>
    %min3A_7 = arith.minimumf %select_n3A, %min3A_6 : vector<768x128xf32>
    %abs3A = math.absf %select_n3A : vector<768x128xf32>
    %neg3A_8 = arith.constant 0.000000e+00 : f32
    %neg3A_9 = vector.broadcast %neg3A_8 : f32 to vector<768x128xf32>
    %neg3A_10 = arith.subf %neg3A_9, %abs3A : vector<768x128xf32>
    %exp3A = math.exp %neg3A_10 : vector<768x128xf32>
    %log1p3A = math.log1p %exp3A : vector<768x128xf32>
    %sub3A = arith.subf %min3A_7, %log1p3A : vector<768x128xf32>
    %reduce_sum3A = vector.shape_cast %sub3A : vector<768x128xf32> to vector<1x768x128xf32>
    %reduce_sum3A_11 = arith.constant dense<0.000000e+00> : vector<1xf32>
    %reduce_sum3A_12 = vector.multi_reduction <add>, %reduce_sum3A, %reduce_sum3A_11 [1, 2] : vector<1x768x128xf32> to vector<1xf32>
    %reduce_sum3A_13 = vector.shape_cast %reduce_sum3A_12 : vector<1xf32> to vector<1x1x1xf32>
    %reduce_sum3A_14 = vector.extract %reduce_sum3A_13[0, 0, 0] : f32 from vector<1x1x1xf32>
    %neg3A_15 = arith.constant 0.000000e+00 : f32
    %neg3A_16 = arith.subf %neg3A_15, %reduce_sum3A_14 : f32
    %mul3A = arith.constant 6.10351563E-5 : f32
    %mul3A_17 = arith.mulf %neg3A_16, %mul3A : f32
    %reshape3A = vector.broadcast %mul3A_17 : f32 to vector<1x1xf32>
    %swap3A = arith.constant 0 : index
    %swap3A_18 = arith.constant 0 : index
    %swap3A_19 = vector.load %arg1[%swap3A, %swap3A_18] : memref<1x1xf32, #tpu.memory_space<vmem>>, vector<1x1xf32>
    tpu.vector_store %arg1[%swap3A, %swap3A_18], %reshape3A {strides = array<i32>} : memref<1x1xf32, #tpu.memory_space<vmem>>, vector<1x1xf32>,
    return
  }
}

module attributes {stable_mosaic.version = 14 : i64} {
  func.func @_tr_body(%arg0: i32, %arg1: memref<32x8192xf32, #tpu.memory_space<vmem>>, %arg2: memref<32x8192xf32, #tpu.memory_space<vmem>>, %arg3: memref<32x8192xf32, #tpu.memory_space<vmem>>, %arg4: memref<32x8192xf32, #tpu.memory_space<vmem>>, %arg5: memref<2048x128xi32, #tpu.memory_space<vmem>>, %arg6: memref<2048x128xi32, #tpu.memory_space<vmem>>) attributes {dimension_semantics = [#tpu.dimension_semantics<arbitrary>], iteration_bounds = array<i64: 123>, scalar_prefetch = 0 : i64, scratch_operands = 0 : i64, tpu.core_type = #tpu.core_type<tc>, window_params = [{transform_indices = @transform_0, window_bounds = array<i64: 32, 8192>}, {transform_indices = @transform_1, window_bounds = array<i64: 32, 8192>}, {transform_indices = @transform_2, window_bounds = array<i64: 32, 8192>}, {transform_indices = @transform_3, window_bounds = array<i64: 32, 8192>}, {transform_indices = @transform_4, window_bounds = array<i64: 2048, 128>}, {transform_indices = @transform_5, window_bounds = array<i64: 2048, 128>}]} {
    %get3A = arith.constant 0 : index
    %get3A_0 = arith.constant 0 : index
    %get3A_1 = vector.load %arg1[%get3A, %get3A_0] : memref<32x8192xf32, #tpu.memory_space<vmem>>, vector<32x8192xf32>
    %bitcast_convert_type3A = tpu.bitcast %get3A_1 : vector<32x8192xf32> -> vector<32x8192xi32>
    %add3A = arith.constant 32767 : i32
    %add3A_2 = vector.broadcast %add3A : i32 to vector<32x8192xi32>
    %add3A_3 = arith.addi %bitcast_convert_type3A, %add3A_2 : vector<32x8192xi32>
    %shift_right_logical3A = arith.constant 16 : i32
    %shift_right_logical3A_4 = vector.broadcast %shift_right_logical3A : i32 to vector<32x8192xi32>
    %shift_right_logical3A_5 = arith.shrui %bitcast_convert_type3A, %shift_right_logical3A_4 : vector<32x8192xi32>
    %and3A = arith.constant 1 : i32
    %and3A_6 = vector.broadcast %and3A : i32 to vector<32x8192xi32>
    %and3A_7 = arith.andi %shift_right_logical3A_5, %and3A_6 : vector<32x8192xi32>
    %add3A_8 = arith.addi %add3A_3, %and3A_7 : vector<32x8192xi32>
    %get3A_9 = arith.constant 0 : index
    %get3A_10 = arith.constant 0 : index
    %get3A_11 = vector.load %arg2[%get3A_9, %get3A_10] : memref<32x8192xf32, #tpu.memory_space<vmem>>, vector<32x8192xf32>
    %bitcast_convert_type3A_12 = tpu.bitcast %get3A_11 : vector<32x8192xf32> -> vector<32x8192xi32>
    %add3A_13 = arith.constant 32767 : i32
    %add3A_14 = vector.broadcast %add3A_13 : i32 to vector<32x8192xi32>
    %add3A_15 = arith.addi %bitcast_convert_type3A_12, %add3A_14 : vector<32x8192xi32>
    %shift_right_logical3A_16 = arith.constant 16 : i32
    %shift_right_logical3A_17 = vector.broadcast %shift_right_logical3A_16 : i32 to vector<32x8192xi32>
    %shift_right_logical3A_18 = arith.shrui %bitcast_convert_type3A_12, %shift_right_logical3A_17 : vector<32x8192xi32>
    %and3A_19 = arith.constant 1 : i32
    %and3A_20 = vector.broadcast %and3A_19 : i32 to vector<32x8192xi32>
    %and3A_21 = arith.andi %shift_right_logical3A_18, %and3A_20 : vector<32x8192xi32>
    %add3A_22 = arith.addi %add3A_15, %and3A_21 : vector<32x8192xi32>
    %and3A_23 = arith.constant -65536 : i32
    %and3A_24 = vector.broadcast %and3A_23 : i32 to vector<32x8192xi32>
    %and3A_25 = arith.andi %add3A_22, %and3A_24 : vector<32x8192xi32>
    %shift_right_logical3A_26 = arith.constant 16 : i32
    %shift_right_logical3A_27 = vector.broadcast %shift_right_logical3A_26 : i32 to vector<32x8192xi32>
    %shift_right_logical3A_28 = arith.shrui %add3A_8, %shift_right_logical3A_27 : vector<32x8192xi32>
    %or3A = arith.ori %and3A_25, %shift_right_logical3A_28 : vector<32x8192xi32>
    %slice3A = vector.extract_strided_slice %or3A {offsets = [0, 0], sizes = [32, 512], strides = [1, 1]} : vector<32x8192xi32> to vector<32x512xi32>
    %transpose3A = tpu.transpose %slice3A, [1, 0] : vector<32x512xi32> -> vector<512x32xi32>
    %slice3A_29 = vector.extract_strided_slice %or3A {offsets = [0, 512], sizes = [32, 512], strides = [1, 1]} : vector<32x8192xi32> to vector<32x512xi32>
    %transpose3A_30 = tpu.transpose %slice3A_29, [1, 0] : vector<32x512xi32> -> vector<512x32xi32>
    %slice3A_31 = vector.extract_strided_slice %or3A {offsets = [0, 1024], sizes = [32, 512], strides = [1, 1]} : vector<32x8192xi32> to vector<32x512xi32>
    %transpose3A_32 = tpu.transpose %slice3A_31, [1, 0] : vector<32x512xi32> -> vector<512x32xi32>
    %slice3A_33 = vector.extract_strided_slice %or3A {offsets = [0, 1536], sizes = [32, 512], strides = [1, 1]} : vector<32x8192xi32> to vector<32x512xi32>
    %transpose3A_34 = tpu.transpose %slice3A_33, [1, 0] : vector<32x512xi32> -> vector<512x32xi32>
    %slice3A_35 = vector.extract_strided_slice %or3A {offsets = [0, 2048], sizes = [32, 512], strides = [1, 1]} : vector<32x8192xi32> to vector<32x512xi32>
    %transpose3A_36 = tpu.transpose %slice3A_35, [1, 0] : vector<32x512xi32> -> vector<512x32xi32>
    %slice3A_37 = vector.extract_strided_slice %or3A {offsets = [0, 2560], sizes = [32, 512], strides = [1, 1]} : vector<32x8192xi32> to vector<32x512xi32>
    %transpose3A_38 = tpu.transpose %slice3A_37, [1, 0] : vector<32x512xi32> -> vector<512x32xi32>
    %slice3A_39 = vector.extract_strided_slice %or3A {offsets = [0, 3072], sizes = [32, 512], strides = [1, 1]} : vector<32x8192xi32> to vector<32x512xi32>
    %transpose3A_40 = tpu.transpose %slice3A_39, [1, 0] : vector<32x512xi32> -> vector<512x32xi32>
    %slice3A_41 = vector.extract_strided_slice %or3A {offsets = [0, 3584], sizes = [32, 512], strides = [1, 1]} : vector<32x8192xi32> to vector<32x512xi32>
    %transpose3A_42 = tpu.transpose %slice3A_41, [1, 0] : vector<32x512xi32> -> vector<512x32xi32>
    %slice3A_43 = vector.extract_strided_slice %or3A {offsets = [0, 4096], sizes = [32, 512], strides = [1, 1]} : vector<32x8192xi32> to vector<32x512xi32>
    %transpose3A_44 = tpu.transpose %slice3A_43, [1, 0] : vector<32x512xi32> -> vector<512x32xi32>
    %slice3A_45 = vector.extract_strided_slice %or3A {offsets = [0, 4608], sizes = [32, 512], strides = [1, 1]} : vector<32x8192xi32> to vector<32x512xi32>
    %transpose3A_46 = tpu.transpose %slice3A_45, [1, 0] : vector<32x512xi32> -> vector<512x32xi32>
    %slice3A_47 = vector.extract_strided_slice %or3A {offsets = [0, 5120], sizes = [32, 512], strides = [1, 1]} : vector<32x8192xi32> to vector<32x512xi32>
    %transpose3A_48 = tpu.transpose %slice3A_47, [1, 0] : vector<32x512xi32> -> vector<512x32xi32>
    %slice3A_49 = vector.extract_strided_slice %or3A {offsets = [0, 5632], sizes = [32, 512], strides = [1, 1]} : vector<32x8192xi32> to vector<32x512xi32>
    %transpose3A_50 = tpu.transpose %slice3A_49, [1, 0] : vector<32x512xi32> -> vector<512x32xi32>
    %slice3A_51 = vector.extract_strided_slice %or3A {offsets = [0, 6144], sizes = [32, 512], strides = [1, 1]} : vector<32x8192xi32> to vector<32x512xi32>
    %transpose3A_52 = tpu.transpose %slice3A_51, [1, 0] : vector<32x512xi32> -> vector<512x32xi32>
    %slice3A_53 = vector.extract_strided_slice %or3A {offsets = [0, 6656], sizes = [32, 512], strides = [1, 1]} : vector<32x8192xi32> to vector<32x512xi32>
    %transpose3A_54 = tpu.transpose %slice3A_53, [1, 0] : vector<32x512xi32> -> vector<512x32xi32>
    %slice3A_55 = vector.extract_strided_slice %or3A {offsets = [0, 7168], sizes = [32, 512], strides = [1, 1]} : vector<32x8192xi32> to vector<32x512xi32>
    %transpose3A_56 = tpu.transpose %slice3A_55, [1, 0] : vector<32x512xi32> -> vector<512x32xi32>
    %slice3A_57 = vector.extract_strided_slice %or3A {offsets = [0, 7680], sizes = [32, 512], strides = [1, 1]} : vector<32x8192xi32> to vector<32x512xi32>
    %transpose3A_58 = tpu.transpose %slice3A_57, [1, 0] : vector<32x512xi32> -> vector<512x32xi32>
    %concatenate3A = tpu.concatenate %transpose3A, %transpose3A_30, %transpose3A_32, %transpose3A_34 in 1 : vector<512x32xi32>, vector<512x32xi32>, vector<512x32xi32>, vector<512x32xi32> -> vector<512x128xi32>
    %concatenate3A_59 = tpu.concatenate %transpose3A_36, %transpose3A_38, %transpose3A_40, %transpose3A_42 in 1 : vector<512x32xi32>, vector<512x32xi32>, vector<512x32xi32>, vector<512x32xi32> -> vector<512x128xi32>
    %concatenate3A_60 = tpu.concatenate %transpose3A_44, %transpose3A_46, %transpose3A_48, %transpose3A_50 in 1 : vector<512x32xi32>, vector<512x32xi32>, vector<512x32xi32>, vector<512x32xi32> -> vector<512x128xi32>
    %concatenate3A_61 = tpu.concatenate %transpose3A_52, %transpose3A_54, %transpose3A_56, %transpose3A_58 in 1 : vector<512x32xi32>, vector<512x32xi32>, vector<512x32xi32>, vector<512x32xi32> -> vector<512x128xi32>
    %concatenate3A_62 = tpu.concatenate %concatenate3A, %concatenate3A_59, %concatenate3A_60, %concatenate3A_61 in 0 : vector<512x128xi32>, vector<512x128xi32>, vector<512x128xi32>, vector<512x128xi32> -> vector<2048x128xi32>
    %swap3A = arith.constant 0 : index
    %swap3A_63 = arith.constant 0 : index
    %swap3A_64 = vector.load %arg5[%swap3A, %swap3A_63] : memref<2048x128xi32, #tpu.memory_space<vmem>>, vector<2048x128xi32>
    tpu.vector_store %arg5[%swap3A, %swap3A_63], %concatenate3A_62 {strides = array<i32>} : memref<2048x128xi32, #tpu.memory_space<vmem>>, vector<2048x128xi32>,
    %get3A_65 = arith.constant 0 : index
    %get3A_66 = arith.constant 0 : index
    %get3A_67 = vector.load %arg3[%get3A_65, %get3A_66] : memref<32x8192xf32, #tpu.memory_space<vmem>>, vector<32x8192xf32>
    %bitcast_convert_type3A_68 = tpu.bitcast %get3A_67 : vector<32x8192xf32> -> vector<32x8192xi32>
    %add3A_69 = arith.constant 32767 : i32
    %add3A_70 = vector.broadcast %add3A_69 : i32 to vector<32x8192xi32>
    %add3A_71 = arith.addi %bitcast_convert_type3A_68, %add3A_70 : vector<32x8192xi32>
    %shift_right_logical3A_72 = arith.constant 16 : i32
    %shift_right_logical3A_73 = vector.broadcast %shift_right_logical3A_72 : i32 to vector<32x8192xi32>
    %shift_right_logical3A_74 = arith.shrui %bitcast_convert_type3A_68, %shift_right_logical3A_73 : vector<32x8192xi32>
    %and3A_75 = arith.constant 1 : i32
    %and3A_76 = vector.broadcast %and3A_75 : i32 to vector<32x8192xi32>
    %and3A_77 = arith.andi %shift_right_logical3A_74, %and3A_76 : vector<32x8192xi32>
    %add3A_78 = arith.addi %add3A_71, %and3A_77 : vector<32x8192xi32>
    %get3A_79 = arith.constant 0 : index
    %get3A_80 = arith.constant 0 : index
    %get3A_81 = vector.load %arg4[%get3A_79, %get3A_80] : memref<32x8192xf32, #tpu.memory_space<vmem>>, vector<32x8192xf32>
    %bitcast_convert_type3A_82 = tpu.bitcast %get3A_81 : vector<32x8192xf32> -> vector<32x8192xi32>
    %add3A_83 = arith.constant 32767 : i32
    %add3A_84 = vector.broadcast %add3A_83 : i32 to vector<32x8192xi32>
    %add3A_85 = arith.addi %bitcast_convert_type3A_82, %add3A_84 : vector<32x8192xi32>
    %shift_right_logical3A_86 = arith.constant 16 : i32
    %shift_right_logical3A_87 = vector.broadcast %shift_right_logical3A_86 : i32 to vector<32x8192xi32>
    %shift_right_logical3A_88 = arith.shrui %bitcast_convert_type3A_82, %shift_right_logical3A_87 : vector<32x8192xi32>
    %and3A_89 = arith.constant 1 : i32
    %and3A_90 = vector.broadcast %and3A_89 : i32 to vector<32x8192xi32>
    %and3A_91 = arith.andi %shift_right_logical3A_88, %and3A_90 : vector<32x8192xi32>
    %add3A_92 = arith.addi %add3A_85, %and3A_91 : vector<32x8192xi32>
    %and3A_93 = arith.constant -65536 : i32
    %and3A_94 = vector.broadcast %and3A_93 : i32 to vector<32x8192xi32>
    %and3A_95 = arith.andi %add3A_92, %and3A_94 : vector<32x8192xi32>
    %shift_right_logical3A_96 = arith.constant 16 : i32
    %shift_right_logical3A_97 = vector.broadcast %shift_right_logical3A_96 : i32 to vector<32x8192xi32>
    %shift_right_logical3A_98 = arith.shrui %add3A_78, %shift_right_logical3A_97 : vector<32x8192xi32>
    %or3A_99 = arith.ori %and3A_95, %shift_right_logical3A_98 : vector<32x8192xi32>
    %slice3A_100 = vector.extract_strided_slice %or3A_99 {offsets = [0, 0], sizes = [32, 512], strides = [1, 1]} : vector<32x8192xi32> to vector<32x512xi32>
    %transpose3A_101 = tpu.transpose %slice3A_100, [1, 0] : vector<32x512xi32> -> vector<512x32xi32>
    %slice3A_102 = vector.extract_strided_slice %or3A_99 {offsets = [0, 512], sizes = [32, 512], strides = [1, 1]} : vector<32x8192xi32> to vector<32x512xi32>
    %transpose3A_103 = tpu.transpose %slice3A_102, [1, 0] : vector<32x512xi32> -> vector<512x32xi32>
    %slice3A_104 = vector.extract_strided_slice %or3A_99 {offsets = [0, 1024], sizes = [32, 512], strides = [1, 1]} : vector<32x8192xi32> to vector<32x512xi32>
    %transpose3A_105 = tpu.transpose %slice3A_104, [1, 0] : vector<32x512xi32> -> vector<512x32xi32>
    %slice3A_106 = vector.extract_strided_slice %or3A_99 {offsets = [0, 1536], sizes = [32, 512], strides = [1, 1]} : vector<32x8192xi32> to vector<32x512xi32>
    %transpose3A_107 = tpu.transpose %slice3A_106, [1, 0] : vector<32x512xi32> -> vector<512x32xi32>
    %slice3A_108 = vector.extract_strided_slice %or3A_99 {offsets = [0, 2048], sizes = [32, 512], strides = [1, 1]} : vector<32x8192xi32> to vector<32x512xi32>
    %transpose3A_109 = tpu.transpose %slice3A_108, [1, 0] : vector<32x512xi32> -> vector<512x32xi32>
    %slice3A_110 = vector.extract_strided_slice %or3A_99 {offsets = [0, 2560], sizes = [32, 512], strides = [1, 1]} : vector<32x8192xi32> to vector<32x512xi32>
    %transpose3A_111 = tpu.transpose %slice3A_110, [1, 0] : vector<32x512xi32> -> vector<512x32xi32>
    %slice3A_112 = vector.extract_strided_slice %or3A_99 {offsets = [0, 3072], sizes = [32, 512], strides = [1, 1]} : vector<32x8192xi32> to vector<32x512xi32>
    %transpose3A_113 = tpu.transpose %slice3A_112, [1, 0] : vector<32x512xi32> -> vector<512x32xi32>
    %slice3A_114 = vector.extract_strided_slice %or3A_99 {offsets = [0, 3584], sizes = [32, 512], strides = [1, 1]} : vector<32x8192xi32> to vector<32x512xi32>
    %transpose3A_115 = tpu.transpose %slice3A_114, [1, 0] : vector<32x512xi32> -> vector<512x32xi32>
    %slice3A_116 = vector.extract_strided_slice %or3A_99 {offsets = [0, 4096], sizes = [32, 512], strides = [1, 1]} : vector<32x8192xi32> to vector<32x512xi32>
    %transpose3A_117 = tpu.transpose %slice3A_116, [1, 0] : vector<32x512xi32> -> vector<512x32xi32>
    %slice3A_118 = vector.extract_strided_slice %or3A_99 {offsets = [0, 4608], sizes = [32, 512], strides = [1, 1]} : vector<32x8192xi32> to vector<32x512xi32>
    %transpose3A_119 = tpu.transpose %slice3A_118, [1, 0] : vector<32x512xi32> -> vector<512x32xi32>
    %slice3A_120 = vector.extract_strided_slice %or3A_99 {offsets = [0, 5120], sizes = [32, 512], strides = [1, 1]} : vector<32x8192xi32> to vector<32x512xi32>
    %transpose3A_121 = tpu.transpose %slice3A_120, [1, 0] : vector<32x512xi32> -> vector<512x32xi32>
    %slice3A_122 = vector.extract_strided_slice %or3A_99 {offsets = [0, 5632], sizes = [32, 512], strides = [1, 1]} : vector<32x8192xi32> to vector<32x512xi32>
    %transpose3A_123 = tpu.transpose %slice3A_122, [1, 0] : vector<32x512xi32> -> vector<512x32xi32>
    %slice3A_124 = vector.extract_strided_slice %or3A_99 {offsets = [0, 6144], sizes = [32, 512], strides = [1, 1]} : vector<32x8192xi32> to vector<32x512xi32>
    %transpose3A_125 = tpu.transpose %slice3A_124, [1, 0] : vector<32x512xi32> -> vector<512x32xi32>
    %slice3A_126 = vector.extract_strided_slice %or3A_99 {offsets = [0, 6656], sizes = [32, 512], strides = [1, 1]} : vector<32x8192xi32> to vector<32x512xi32>
    %transpose3A_127 = tpu.transpose %slice3A_126, [1, 0] : vector<32x512xi32> -> vector<512x32xi32>
    %slice3A_128 = vector.extract_strided_slice %or3A_99 {offsets = [0, 7168], sizes = [32, 512], strides = [1, 1]} : vector<32x8192xi32> to vector<32x512xi32>
    %transpose3A_129 = tpu.transpose %slice3A_128, [1, 0] : vector<32x512xi32> -> vector<512x32xi32>
    %slice3A_130 = vector.extract_strided_slice %or3A_99 {offsets = [0, 7680], sizes = [32, 512], strides = [1, 1]} : vector<32x8192xi32> to vector<32x512xi32>
    %transpose3A_131 = tpu.transpose %slice3A_130, [1, 0] : vector<32x512xi32> -> vector<512x32xi32>
    %concatenate3A_132 = tpu.concatenate %transpose3A_101, %transpose3A_103, %transpose3A_105, %transpose3A_107 in 1 : vector<512x32xi32>, vector<512x32xi32>, vector<512x32xi32>, vector<512x32xi32> -> vector<512x128xi32>
    %concatenate3A_133 = tpu.concatenate %transpose3A_109, %transpose3A_111, %transpose3A_113, %transpose3A_115 in 1 : vector<512x32xi32>, vector<512x32xi32>, vector<512x32xi32>, vector<512x32xi32> -> vector<512x128xi32>
    %concatenate3A_134 = tpu.concatenate %transpose3A_117, %transpose3A_119, %transpose3A_121, %transpose3A_123 in 1 : vector<512x32xi32>, vector<512x32xi32>, vector<512x32xi32>, vector<512x32xi32> -> vector<512x128xi32>
    %concatenate3A_135 = tpu.concatenate %transpose3A_125, %transpose3A_127, %transpose3A_129, %transpose3A_131 in 1 : vector<512x32xi32>, vector<512x32xi32>, vector<512x32xi32>, vector<512x32xi32> -> vector<512x128xi32>
    %concatenate3A_136 = tpu.concatenate %concatenate3A_132, %concatenate3A_133, %concatenate3A_134, %concatenate3A_135 in 0 : vector<512x128xi32>, vector<512x128xi32>, vector<512x128xi32>, vector<512x128xi32> -> vector<2048x128xi32>
    %swap3A_137 = arith.constant 0 : index
    %swap3A_138 = arith.constant 0 : index
    %swap3A_139 = vector.load %arg6[%swap3A_137, %swap3A_138] : memref<2048x128xi32, #tpu.memory_space<vmem>>, vector<2048x128xi32>
    tpu.vector_store %arg6[%swap3A_137, %swap3A_138], %concatenate3A_136 {strides = array<i32>} : memref<2048x128xi32, #tpu.memory_space<vmem>>, vector<2048x128xi32>,
    return
  }
  func.func @transform_0(%arg0: i32) -> (i32, i32) {
    %c0_i32 = arith.constant 0 : i32
    %c0_i32_0 = arith.constant 0 : i32
    return %c0_i32, %arg0 : i32, i32
  }
  func.func @transform_1(%arg0: i32) -> (i32, i32) {
    %c0_i32 = arith.constant 0 : i32
    %c0_i32_0 = arith.constant 0 : i32
    return %c0_i32, %arg0 : i32, i32
  }
  func.func @transform_2(%arg0: i32) -> (i32, i32) {
    %c0_i32 = arith.constant 0 : i32
    %c0_i32_0 = arith.constant 0 : i32
    return %c0_i32, %arg0 : i32, i32
  }
  func.func @transform_3(%arg0: i32) -> (i32, i32) {
    %c0_i32 = arith.constant 0 : i32
    %c0_i32_0 = arith.constant 0 : i32
    return %c0_i32, %arg0 : i32, i32
  }
  func.func @transform_4(%arg0: i32) -> (i32, i32) {
    %c0_i32 = arith.constant 0 : i32
    %c0_i32_0 = arith.constant 0 : i32
    return %arg0, %c0_i32 : i32, i32
  }
  func.func @transform_5(%arg0: i32) -> (i32, i32) {
    %c0_i32 = arith.constant 0 : i32
    %c0_i32_0 = arith.constant 0 : i32
    return %arg0, %c0_i32 : i32, i32
  }
}

</mosaic_0001>

<sc_bundles>
// kernel: kernel.5.cloned.1.call-start
scs
__scs_entry_jumppad:
0x0: {  	(pc) =	sbr.rel $0x88, $3  }
0x1: {  	(tag) =	ssettag $0x0;
	lr =	simm.s32 $0x1  }
0x2: {  	[smem:$0x3F99] =	sst lr;
	_ =	strace $0xD0000000  }
0x3: {  	_ = 	snop  }
0x4: {  	_ = 	snop  }
0x5: {  	_ = 	snop  }
0x6: {  	_ = 	snop  }
0x7: {  	_ = 	snop  }
__scs_overlays_trampoline_lowered:
0x8: {  	[smem:$0x3FA8] =	sst s0  }
0x9: {  	[smem:$0x3FA9] =	sst s1  }
0xa: {  	[smem:$0x3FAA] =	sst s2  }
0xb: {  	[smem:$0x3FAB] =	sst s3  }
0xc: {  	[smem:$0x3FAC] =	sst s4  }
0xd: {  	[smem:$0x3FAD] =	sst s5  }
0xe: {  	[smem:$0x3FAE] =	sst s6  }
0xf: {  	[smem:$0x3FAF] =	sst s7  }
0x10: {  	[smem:$0x3FB0] =	sst s8  }
0x11: {  	[smem:$0x3FB1] =	sst s9;
	s0 =	simm.s32 @!p0 $0x0  }
0x12: {  	s1 =	sld [smem:$0x3F97];
	s0 =	simm.s32 @p0 $0x1  }
0x13: {  	[smem:$0x3FB2] =	sst s0;
	s0 =	simm.s32 @!p1 $0x0  }
0x14: {  	s2 =	sld [smem:$0x3F96];
	s0 =	simm.s32 @p1 $0x1  }
0x15: {  	[smem:$0x3FB3] =	sst s0;
	s0 =	simm.s32 @!p2 $0x0  }
0x16: {  	s3 =	sld [smem:$0x3FDB];
	s0 =	simm.s32 @p2 $0x1  }
0x17: {  	s4 =	simm.s32 $0x1BF5;
	[smem:$0x3FB5] =	sst s0  }
0x18: {  	s0 =	sld [smem:$0x3F98];
	_ =	swait.ge [sflag:s4], $0x0  }
0x19: {  	s7 =	sld [smem:$0x3F99]  }
0x1a: {  	s8 =	sadd.s32 $0xFFFFE003, lr  }
0x1b: {  	s9 =	sadd.s32 $0xFFFFFEF7, lr;
	s5 =	simm.s32 $0xFFFFFFFF;
	p2 =	slt.u32 s8, $0xFFFFF086  }
0x1c: {  	p1 =	slt.u32 s9, $0xF7A;
	s5 =	simm.s32 @!p2 $0x0  }
0x1d: {  	s5 =	simm.s32 @p1 $0x1;
	p0 =	seq.s32 s7, s2  }
0x1e: {  	s7 =	smul.u32 @!p0 $0xF7A, s2;
	p2 =	seq.s32 @!p0 s5, $0x0  }
0x1f: {  	s9 =	smul.u32 $0xF7A, s1;
	s8 =	simm.s32 @!p0 $0x1BF5;
	p2 =	por !p2, p0  }
0x20: {  	[sflag:s8] =	ssyncset.s32 @!p0 $0xFFFFF086;
	s6 =	sadd.s32 @!p0 s3, s7;
	s7 =	simm.s32 @!p0 $0x108  }
0x21: {  	s3 =	sadd.s32 s3, s9;
	s6 =	sadd.s32 @!p0 $0x88, s6;
	s7 =	simm.s32 @p2 $0x1082  }
0x22: {  	[simem:s7], [sflag:s8] =	dma.local @!p0 [hbm:s6], $0xF7A  }
0x23: {  	s9 =	sor.u32 $0xD0000000, s2;
	s6 =	simm.s32 $0x108;
	_ =	swait.ge @!p0 [sflag:s8], $0x0  }
0x24: {  	s3 =	sadd.s32 $0x88, s3;
	s6 =	simm.s32 @!p1 $0x1082;
	[sflag:s4] =	ssyncset.s32 $0xFFFFF086  }
0x25: {  	[simem:s6], [sflag:s4] =	dma.local [hbm:s3], $0xF7A  }
0x26: {  	[smem:$0x3F99] =	sst s1;
	(tag) =	ssettag s2;
	_ =	strace s9  }
0x27: {  	s1 =	sld [smem:$0x3FA9]  }
0x28: {  	s2 =	sld [smem:$0x3FAA]  }
0x29: {  	s4 =	sld [smem:$0x3FAC]  }
0x2a: {  	p0 =	seq.s32 s5, $0x0;
	s5 =	sld [smem:$0x3FAD]  }
0x2b: {  	s6 =	sld [smem:$0x3FAE]  }
0x2c: {  	s7 =	sld [smem:$0x3FAF]  }
0x2d: {  	s3 =	simm.s32 $0x108;
	s8 =	sld [smem:$0x3FB0]  }
0x2e: {  	s3 =	simm.s32 @!p0 $0x1082;
	s9 =	sld [smem:$0x3FB1]  }
0x2f: {  	lr =	sadd.s32 s0, s3;
	s0 =	sld [smem:$0x3FA8]  }
0x30: {  	s3 =	sld [smem:$0x3FAB]  }
0x31: {  	[smem:$0x3FB4] =	sst s10  }
0x32: {  	s10 =	sld [smem:$0x3FB2];
	_ =	sdelay $0x3  }
0x33: {  	p0 =	seq.s32 s10, $0x1;
	s10 =	sld [smem:$0x3FB4];
	_ =	sdelay $0x3  }
0x34: {  	[smem:$0x3FB4] =	sst s10  }
0x35: {  	s10 =	sld [smem:$0x3FB3];
	_ =	sdelay $0x3  }
0x36: {  	p1 =	seq.s32 s10, $0x1;
	s10 =	sld [smem:$0x3FB4];
	_ =	sdelay $0x3  }
0x37: {  	[smem:$0x3FB4] =	sst s10  }
0x38: {  	s10 =	sld [smem:$0x3FB5]  }
0x39: {  	_ = 	snop;
	(pc) =	sbr.ind lr, $3  }
0x3a: {  	_ = 	snop  }
0x3b: {  	_ = 	snop  }
0x3c: {  	p2 =	seq.s32 s10, $0x1;
	s10 =	sld [smem:$0x3FB4]  }
0x3d: {  	_ =	shalt  }
0x3e: {  	_ =	shalt  }
0x3f: {  	_ =	shalt  }
0x40: {  	_ =	shalt  }
0x41: {  	_ =	shalt  }
0x42: {  	_ =	shalt  }
0x43: {  	_ =	shalt  }
0x44: {  	_ =	shalt  }
0x45: {  	_ =	shalt  }
0x46: {  	_ =	shalt  }
0x47: {  	_ =	shalt  }
0x48: {  	_ =	shalt  }
0x49: {  	_ =	shalt  }
0x4a: {  	_ =	shalt  }
0x4b: {  	_ =	shalt  }
0x4c: {  	_ =	shalt  }
0x4d: {  	_ =	shalt  }
0x4e: {  	_ =	shalt  }
0x4f: {  	_ =	shalt  }
0x50: {  	_ =	shalt  }
0x51: {  	_ =	shalt  }
0x52: {  	_ =	shalt  }
0x53: {  	_ =	shalt  }
0x54: {  	_ =	shalt  }
0x55: {  	_ =	shalt  }
0x56: {  	_ =	shalt  }
0x57: {  	_ =	shalt  }
0x58: {  	_ =	shalt  }
0x59: {  	_ =	shalt  }
0x5a: {  	_ =	shalt  }
0x5b: {  	_ =	shalt  }
0x5c: {  	_ =	shalt  }
0x5d: {  	_ =	shalt  }
0x5e: {  	_ =	shalt  }
0x5f: {  	_ =	shalt  }
0x60: {  	_ =	shalt  }
0x61: {  	_ =	shalt  }
0x62: {  	_ =	shalt  }
0x63: {  	_ =	shalt  }
0x64: {  	_ =	shalt  }
0x65: {  	_ =	shalt  }
0x66: {  	_ =	shalt  }
0x67: {  	_ =	shalt  }
0x68: {  	_ =	shalt  }
0x69: {  	_ =	shalt  }
0x6a: {  	_ =	shalt  }
0x6b: {  	_ =	shalt  }
0x6c: {  	_ =	shalt  }
0x6d: {  	_ =	shalt  }
0x6e: {  	_ =	shalt  }
0x6f: {  	_ =	shalt  }
0x70: {  	_ =	shalt  }
0x71: {  	_ =	shalt  }
0x72: {  	_ =	shalt  }
0x73: {  	_ =	shalt  }
0x74: {  	_ =	shalt  }
0x75: {  	_ =	shalt  }
0x76: {  	_ =	shalt  }
0x77: {  	_ =	shalt  }
0x78: {  	_ =	shalt  }
0x79: {  	_ =	shalt  }
0x7a: {  	_ =	shalt  }
0x7b: {  	_ =	shalt  }
0x7c: {  	_ =	shalt  }
0x7d: {  	_ =	shalt  }
0x7e: {  	_ =	shalt  }
0x7f: {  	_ =	shalt  }
0x80: {  	_ =	shalt  }
0x81: {  	_ =	shalt  }
0x82: {  	_ =	shalt  }
0x83: {  	_ =	shalt  }
0x84: {  	_ =	shalt  }
0x85: {  	_ =	shalt  }
0x86: {  	_ =	shalt  }
0x87: {  	_ =	shalt  }
.Lfunc_end0:
.L_simem_size_0:
called_computation_lowered:
.L_overlay_start_0:
0x88: {  	s2 =	sld [smem:$0x3FD9]  }
0x89: {  	s3 =	sld [smem:$0x3FFE];
	_ =	sdelay $0x1  }
0x8a: {  	s1 =	srdreg.scid  }
0x8b: {  	s0 =	sand.u32 $0x1, s1  }
0x8c: {  	s16 =	sshll.u32 s0, $0xA;
	s2 =	sadd.s32 s3, s2  }
0x8d: {  	s2 =	sadd.s32 s2, s16  }
0x8e: {  	[smem:$0x3FC0] =	sst s2  }
0x8f: {  	_ = 	snop  }
0x90: {  	(tm) =	ssettm $0x1  }
0x91: {  	s17 =	sld [smem:$0x3FFB];
	_ =	sdelay $0x3  }
0x92: {  	_ =	strace s17  }
0x93: {  	s2 =	sld [smem:$0x3FFC];
	_ =	sdelay $0x3  }
0x94: {  	_ =	strace s2  }
0x95: {  	s2 =	sld [smem:$0x3FFD];
	_ =	sdelay $0x3  }
0x96: {  	_ =	strace s2  }
0x97: {  	_ =	strace $0x8FFFFFFF  }
0x98: {  	s18 =	sld [smem:$0x3FDB];
	_ =	sdelay $0x1  }
0x99: {  	s19 =	simm.s32 $_scs_section_size  }
0x9a: {  	s4 =	simm.s32 $_size__tile_overlayer_lowered;
	s5 =	simm.s32 $_tile_overlayer_lowered  }
0x9b: {  	s22 =	simm.s32 $0x1BFF;
	s21 =	sshll.u32 s5, $0x1;
	s2 =	sadd.s32 s19, s18  }
0x9c: {  	s6 =	simm.s32 $0x0;
	s20 =	sshll.u32 s4, $0x1;
	s4 =	sadd.s32 s21, s2  }
0x9d: {  	[timem:s6], [sflag:s22] =	dma.local [hbm:s4], s20  }
0x9e: {  	_ =	swait.ge [sflag:s22], s20  }
0x9f: {  	s3 =	ssub.s32 $0x0, s20;
	[sflag:s22] =	ssyncset.done $0x0  }
0xa0: {  	[sflag:s22] =	ssyncadd.s32 s3;
	_ =	sdelay $0x1  }
0xa1: {  	s23 =	simm.s32 $0x1B8B  }
0xa2: {  	_ =	swait.ge [sflag:s23], $0x1  }
0xa3: {  	[sflag:s23] =	ssyncset.done $0x0  }
0xa4: {  	s25 =	simm.s32 $0x1B8E;
	s24 =	sld [smem:$0x3FFE];
	[sflag:s23] =	ssyncadd.s32 $0xFFFFFFFF  }
0xa5: {  	s26 =	simm.s32 $execute0_lowered;
	[smem:$0x3FD2] =	sst s25  }
0xa6: {  	s4 =	sshll.u32 s26, $0x1;
	_ =	strace $0x80000046;
	[dreg:$0x1] =	wrdreg $0xFFFFFFFF  }
0xa7: {  	s28 =	simm.s32 $_size_execute0_lowered;
	s2 =	sadd.s32 s2, s4;
	[dreg:$0x0] =	wrdreg $0x0  }
0xa8: {  	s4 =	sshll.u32 s28, $0x1;
	[dreg:$0x2] =	wrdreg s2  }
0xa9: {  	[dreg:$0x3] =	wrdreg s4  }
0xaa: {  	[dreg:$0x4] =	wrdreg $0xC0  }
0xab: {  	_ =	task [dreg:s6], $0x5FFFF  }
0xac: {  	[dreg:$0x1] =	wrdreg $0xFFFFFFFF  }
0xad: {  	[dreg:$0x0] =	wrdreg $0x60  }
0xae: {  	[dreg:$0x2] =	wrdreg s24  }
0xaf: {  	[dreg:$0x3] =	wrdreg $0x9  }
0xb0: {  	_ =	task.clear_ibuf [dreg:s6], $0x4FFFF;
	_ =	strace $0x90000046  }
0xb1: {  	s29 =	simm.s32 $0x9;
	_ =	strace $0x80000048  }
0xb2: {  	_ =	swait.ge [sflag:s29], $0x1  }
0xb3: {  	[sflag:s29] =	ssyncadd.s32 $0xFFFFFFFF  }
0xb4: {  	_ =	strace $0x90000048  }
0xb5: {  	_ =	sfence  }
0xb6: {  	s30 =	sld [smem:$0x0];
	_ =	sdelay $0x2  }
0xb7: {  	s31 =	sshll.u32 s1, $0xD;
	s1 =	sshrl.u32 s1, $0x2  }
0xb8: {  	s3 =	sand.u32 $0x4000, s31;
	s1 =	sadd.s32 s1, s30  }
0xb9: {  	s0 =	sor.u32 s3, s0;
	s1 =	sshll.u32 s1, $0x11  }
0xba: {  	s0 =	sor.u32 s1, s0  }
0xbb: {  	s0 =	sadd.s32 $0x8F2B, s0  }
0xbc: {  	[sflag:s0] =	ssyncadd.remote.s32 $0x1  }
0xbd: {  	_ =	sfence.sel $0xFFFF  }
0xbe: {  	[dreg:$0x0] =	wrdreg $0xFFFFFFFF;
	(pc) =	sbr.abs _section_cstart, $3  }
0xbf: {  	[dreg:$0x1] =	wrdreg $0xFFFFFFFF  }
0xc0: {  	_ =	task.clear_ibuf [dreg:s6], $0x2FFFF;
	_ =	strace $0x9FFFFFFF  }
0xc1: {  	(tm) =	ssettm $0x7FFFFFFF  }
tec
execute0_lowered:
.L_overlay_start_1:
0x0: {  	(tag) =	ssettag $0x1  }
0x1: {  	s1 =	srdreg.scid;
	s0 =	stileid.u32  }
0x2: {  	s4 =	rddreg [dreg:$0x0];
	s2 =	simm.s32 $0x0;
	s11 =	simm.s32 $0x3  }
0x3: {  	s13 =	simm.s32 $0x1800;
	s15 =	simm.s32 $0x80;
	s16 =	simm.s32 $0x3000  }
0x4: {  	s17 =	simm.s32 $0x7000;
	s18 =	simm.s32 $0xB000;
	s19 =	simm.s32 $0xF000  }
0x5: {  	s20 =	simm.s32 $0x1;
	s1 =	sand.u32 $0x1, s1;
	s3 =	sshll.u32 s0, $0x1  }
0x6: {  	s21 =	simm.s32 $0x2;
	s23 =	simm.s32 $0x0;
	s3 =	sor.u32 s1, s3  }
0x7: {  	[smem:$0x7FF] =	sst s2;
	s1 =	ssub.s32 $0x2, s1;
	s5 =	smul.u32 $0x180, s3  }
0x8: {  	_ =	strace $0x80000047;
	s3 =	sadd.s32 $0xCA00, s4;
	s31 =	sshrl.u32 s1, $0x1  }
0x9: {  	s1 =	ssub.s32 s1, s31;
	s9 =	sadd.s32 s5, s4;
	s4 =	sadd.s32 $0x3E4A00, s4  }
0xa: {  	v0 =	vlaneseq.u32;
	s10 =	smax.u32 s1, $0x1;
	s5 =	sadd.s32 $0x6A00, s9;
	s6 =	sadd.s32 $0x9A00, s9  }
0xb: {  	v0 =	vmul.u32 $0x80, v0;
	s7 =	sadd.s32 $0x3A00, s9;
	s8 =	sadd.s32 $0xA00, s9;
	s9 =	sadd.s32 $0x7BCA00, s9  }
.LBB2_1:
0xc: {  	[tilespmem:s2], [sflag:$0x3] =	stream.linear.gather [hbm4b:s5+s2], $0xC00, $0x38;
	[tilespmem:$0x13C00] =	vst v63  }
0xd: {  	_ =	swait.ge [sflag:s11], $0xC00  }
0xe: {  	[sflag:s11] =	ssyncset.done $0x0  }
0xf: {  	s0 =	simm.s32 $0xC00;
	[sflag:s11] =	ssyncadd.s32 $0xFFFFF400  }
0x10: {  	[tilespmem:s0], [sflag:$0x3] =	stream.linear.gather [hbm4b:s6+s2], $0xC00, $0x38;
	[tilespmem:$0x13C00] =	vst v63  }
0x11: {  	_ =	swait.ge [sflag:s11], $0xC00  }
0x12: {  	[sflag:s11] =	ssyncset.done $0x0  }
0x13: {  	[sflag:s11] =	ssyncadd.s32 $0xFFFFF400  }
0x14: {  	[tilespmem:s13], [sflag:$0x3] =	stream.linear.gather [hbm4b:s7+s2], $0xC00, $0x38;
	[tilespmem:$0x13C00] =	vst v63  }
0x15: {  	_ =	swait.ge [sflag:s11], $0xC00  }
0x16: {  	[sflag:s11] =	ssyncset.done $0x0  }
0x17: {  	s31 =	simm.s32 $0x2400;
	[sflag:s11] =	ssyncadd.s32 $0xFFFFF400  }
0x18: {  	[tilespmem:s31], [sflag:$0x3] =	stream.linear.gather [hbm4b:s8+s2], $0xC00, $0x38;
	[tilespmem:$0x13C00] =	vst v63  }
0x19: {  	_ =	swait.ge [sflag:s11], $0xC00  }
0x1a: {  	[sflag:s11] =	ssyncset.done $0x0  }
0x1b: {  	[sflag:s11] =	ssyncadd.s32 $0xFFFFF400  }
0x1c: {  	[tilespmem:s16], [sflag:$0x1] =	stream.indirect.gather [hbm4b:s3+s15], $0x80, s2, s15, $0xb8;
	[tilespmem:$0x13C00] =	vst v63  }
0x1d: {  	s24 =	simm.s32 $0x0  }
0x1e: {  	[tilespmem:s17], [sflag:$0x1] =	stream.indirect.gather [hbm4b:s4+s15], $0x80, s13, s15, $0xb8;
	[tilespmem:$0x13C00] =	vst v63  }
.LBB2_2:
0x1f: {  	s26 =	sshll.u32 s24, $0x8  }
0x20: {  	s25 =	sor.u32 $0x80, s26  }
0x21: {  	[tilespmem:s18], [sflag:$0x2] =	stream.indirect.gather [hbm4b:s3+s15], $0x80, s25, s15, $0xb8;
	[tilespmem:$0x13C00] =	vst v63  }
0x22: {  	s1 =	sadd.s32 $0x1880, s26  }
0x23: {  	[tilespmem:s19], [sflag:$0x2] =	stream.indirect.gather [hbm4b:s4+s15], $0x80, s1, s15, $0xb8;
	[tilespmem:$0x13C00] =	vst v63  }
0x24: {  	_ =	swait.ge [sflag:s20], $0x4000  }
0x25: {  	[sflag:s20] =	ssyncset.done $0x0  }
0x26: {  	[sflag:s20] =	ssyncadd.s32 $0xFFFFC000  }
0x27: {  	_ =	swait.ge [sflag:s20], $0x4000  }
0x28: {  	[sflag:s20] =	ssyncset.done $0x0  }
0x29: {  	s28 =	simm.s32 $0x0;
	[sflag:s20] =	ssyncadd.s32 $0xFFFFC000  }
.LBB2_3:
0x2a: {  	s1 =	sshll.u32 s28, $0x4  }
0x2b: {  	s29 =	sor.u32 s26, s1  }
0x2c: {  	v1 =	vld [tilespmem:s29+$0xC00]  }
0x2d: {  	v2 =	vld [tilespmem:s29+$0x2400];
	_ =	sdelay $0x1  }
0x2e: {  	v3 =	vmov s1  }
0x2f: {  	s12 =	simm.s32 $0x7;
	s30 =	simm.s32 $0x0;
	v4 =	vimm.f32 $0.0e+00;
	v3 =	vshll.u32 v3, $0x7  }
0x30: {  	s14 =	simm.s32 $0x1;
	v3 =	vor.u32 v0, v3;
	v6 =	vadd.s32 s12, v1;
	v5 =	vadd.s32 s30, v1  }
0x31: {  	s31 =	simm.s32 $0x5;
	s22 =	simm.s32 $0x3;
	v7 =	vadd.s32 s12, v2;
	v8 =	vadd.s32 s30, v2;
	v12 =	vadd.s32 s14, v2  }
0x32: {  	v17 =	vadd.s32 s31, v2;
	v18 =	vadd.s32 s14, v1;
	v20 =	vadd.s32 s22, v1  }
0x33: {  	v38 =	vadd.s32 s22, v2;
	v39 =	vadd.s32 s31, v1;
	v9 =	vand.u32 $0xFFFFFF80, v5  }
0x34: {  	s30 =	simm.s32 $0x2;
	v10 =	vand.u32 $0x7F, v6;
	v11 =	vand.u32 $0xFFFFFF80, v8;
	v8 =	vand.u32 $0x7F, v8  }
0x35: {  	v5 =	vand.u32 $0x7F, v5;
	v13 =	vand.u32 $0x7F, v12;
	v14 =	vadd.s32 s30, v1  }
0x36: {  	v16 =	vadd.s32 s30, v2;
	v19 =	vand.u32 $0x7F, v17;
	v37 =	vand.u32 $0xFFFFFF80, v18  }
0x37: {  	v17 =	vand.u32 $0xFFFFFF80, v17;
	v18 =	vand.u32 $0x7F, v18;
	v22 =	vand.u32 $0x7F, v20  }
0x38: {  	s31 =	simm.s32 $0x6;
	v23 =	vand.u32 $0xFFFFFF80, v38;
	v12 =	vand.u32 $0xFFFFFF80, v12;
	v40 =	vand.u32 $0xFFFFFF80, v39  }
0x39: {  	v20 =	vand.u32 $0xFFFFFF80, v20;
	v47 =	vadd.s32 s31, v1;
	v25 =	vadd.s32 s31, v2  }
0x3a: {  	v28 =	vand.u32 $0x7F, v7;
	v7 =	vand.u32 $0xFFFFFF80, v7;
	v6 =	vand.u32 $0xFFFFFF80, v6  }
0x3b: {  	s30 =	simm.s32 $0x4;
	v9 =	vadd.s32 v3, v9;
	v11 =	vadd.s32 v3, v11;
	v15 =	vand.u32 $0xFFFFFF80, v14  }
0x3c: {  	v17 =	vadd.s32 v3, v17;
	v21 =	vadd.s32 s30, v1;
	v24 =	vadd.s32 s30, v2  }
0x3d: {  	v23 =	vadd.s32 v3, v23;
	v12 =	vadd.s32 v3, v12;
	v41 =	vand.u32 $0xFFFFFF80, v16  }
0x3e: {  	v16 =	vand.u32 $0x7F, v16;
	v48 =	vand.u32 $0xFFFFFF80, v47;
	v5 =	vor.u32 v5, v9  }
0x3f: {  	v20 =	vadd.s32 v3, v20;
	v52 =	vand.u32 $0x7F, v25;
	v8 =	vor.u32 v8, v11  }
0x40: {  	v9 =	vand.u32 $0x7F, v14;
	v14 =	vadd.s32 v3, v37;
	v12 =	vor.u32 v13, v12  }
0x41: {  	v6 =	vadd.s32 v3, v6;
	v15 =	vadd.s32 v3, v15;
	v14 =	vor.u32 v18, v14  }
0x42: {  	v7 =	vadd.s32 v3, v7;
	v18 =	vand.u32 $0x7F, v38;
	v9 =	vor.u32 v9, v15  }
0x43: {  	v43 =	vand.u32 $0xFFFFFF80, v21;
	v21 =	vand.u32 $0x7F, v21;
	v11 =	vor.u32 v18, v23;
	v5 =	vld.idx.msk [tilespmem:v5+s16+$0x0], $0xffff  }
0x44: {  	v17 =	vor.u32 v19, v17;
	v44 =	vand.u32 $0xFFFFFF80, v24;
	v46 =	vand.u32 $0x7F, v24;
	v45 =	vld.idx.msk [tilespmem:v8+s17+$0x0], $0xffff  }
0x45: {  	v24 =	vand.u32 $0x7F, v47;
	v18 =	vand.u32 $0x7F, v39;
	v23 =	vadd.s32 v3, v40;
	v12 =	vld.idx.msk [tilespmem:v12+s17+$0x0], $0xffff  }
0x46: {  	v50 =	vor.u32 v22, v20;
	v10 =	vor.u32 v10, v6;
	v18 =	vor.u32 v18, v23;
	v42 =	vld.idx.msk [tilespmem:v14+s16+$0x0], $0xffff  }
0x47: {  	v62 =	vor.u32 v28, v7;
	v15 =	vadd.s32 v3, v41;
	v19 =	vadd.s32 v3, v44;
	v27 =	vld.idx.msk [tilespmem:v9+s16+$0x0], $0xffff  }
0x48: {  	v14 =	vadd.s32 v3, v43;
	v8 =	vld.idx.msk [tilespmem:v11+s17+$0x0], $0xffff;
	v11 =	vor.u32 v46, v19;
	v19 =	vadd.s32 v3, v48  }
0x49: {  	v15 =	vor.u32 v16, v15;
	v14 =	vor.u32 v21, v14;
	v19 =	vor.u32 v24, v19  }
0x4a: {  	v26 =	vunpack.i.l.bf16.f32 v5;
	v49 =	vunpack.i.u.bf16.f32 v5;
	v5 =	vand.u32 $0xFFFFFF80, v25  }
0x4b: {  	v18 =	vld.idx.msk [tilespmem:v18+s16+$0x0], $0xffff;
	v30 =	vunpack.i.u.bf16.f32 v45;
	v51 =	vunpack.i.l.bf16.f32 v45;
	v54 =	vunpack.i.u.bf16.f32 v12  }
0x4c: {  	v12 =	vunpack.i.l.bf16.f32 v12;
	v9 =	vunpack.i.u.bf16.f32 v42;
	v29 =	vadd.s32 v3, v5;
	v5 =	vld.idx.msk [tilespmem:v17+s17+$0x0], $0xffff  }
0x4d: {  	v21 =	vsub.f32 v49, v30;
	v20 =	vmul.f32 v51, v26;
	v55 =	vunpack.i.u.bf16.f32 v27;
	v17 =	vld.idx.msk [tilespmem:v50+s16+$0x0], $0xffff  }
0x4e: {  	v13 =	vunpack.i.l.bf16.f32 v42;
	v26 =	vld.idx.msk [tilespmem:v62+s17+$0x0], $0xffff;
	v27 =	vunpack.i.l.bf16.f32 v27;
	v53 =	vunpack.i.u.bf16.f32 v8  }
0x4f: {  	v14 =	vld.idx.msk [tilespmem:v14+s16+$0x0], $0xffff;
	v22 =	vor.u32 v52, v29;
	v9 =	vsub.f32 v9, v54;
	v21 =	vand.u32 $0x7FFFFFFF, v21  }
0x50: {  	v11 =	vld.idx.msk [tilespmem:v11+s17+$0x0], $0xffff;
	v12 =	vmul.f32 v12, v13;
	v8 =	vunpack.i.l.bf16.f32 v8;
	v56 =	vsub.f32 $6.283185480e+00, v21  }
0x51: {  	v60 =	vunpack.i.u.bf16.f32 v18;
	v18 =	vunpack.i.l.bf16.f32 v18;
	v9 =	vand.u32 $0x7FFFFFFF, v9  }
0x52: {  	v15 =	vld.idx.msk [tilespmem:v15+s17+$0x0], $0xffff;
	v63 =	vsub.f32 $6.283185480e+00, v9;
	v57 =	vunpack.i.u.bf16.f32 v5;
	v21 =	vmin.f32 v21, v56  }
0x53: {  	v7 =	vld.idx.msk [tilespmem:v19+s16+$0x0], $0xffff;
	v31 =	vunpack.i.u.bf16.f32 v17;
	v17 =	vunpack.i.l.bf16.f32 v17;
	v41 =	vunpack.i.u.bf16.f32 v26  }
0x54: {  	v5 =	vunpack.i.l.bf16.f32 v5;
	v58 =	vunpack.i.l.bf16.f32 v14;
	v21 =	vmul.f32 v21, v21  }
0x55: {  	v14 =	vunpack.i.u.bf16.f32 v14;
	v59 =	vunpack.i.u.bf16.f32 v11;
	v6 =	vunpack.i.l.bf16.f32 v11  }
0x56: {  	v11 =	vsub.f32 v60, v57;
	v9 =	vmin.f32 v9, v63;
	v16 =	vsub.f32 v31, v53  }
0x57: {  	v8 =	vmul.f32 v8, v17;
	v14 =	vsub.f32 v14, v59;
	v6 =	vmul.f32 v6, v58  }
0x58: {  	v22 =	vld.idx.msk [tilespmem:v22+s17+$0x0], $0xffff;
	v33 =	vmul.f32 v9, v9;
	v9 =	vunpack.i.u.bf16.f32 v15;
	v37 =	vunpack.i.u.bf16.f32 v7  }
0x59: {  	v15 =	vunpack.i.l.bf16.f32 v15;
	v61 =	vmul.f32 $2.219395010e-07, v21;
	v11 =	vand.u32 $0x7FFFFFFF, v11  }
0x5a: {  	v24 =	vsub.f32 v55, v9;
	v9 =	vld.idx.msk [tilespmem:v10+s16+$0x0], $0xffff;
	v10 =	vand.u32 $0x7FFFFFFF, v16;
	v15 =	vmul.f32 v15, v27  }
0x5b: {  	v14 =	vand.u32 $0x7FFFFFFF, v14;
	v34 =	vmul.f32 $2.219395010e-07, v33;
	v35 =	vsub.f32 $6.283185480e+00, v11  }
0x5c: {  	v39 =	vsub.f32 $6.283185480e+00, v10;
	v32 =	vsub.f32 $2.425319330e-05, v61;
	v24 =	vand.u32 $0x7FFFFFFF, v24  }
0x5d: {  	v31 =	vsub.f32 $6.283185480e+00, v14;
	v36 =	vunpack.i.u.bf16.f32 v22;
	v38 =	vsub.f32 $6.283185480e+00, v24  }
0x5e: {  	v16 =	vsub.f32 $2.425319330e-05, v34;
	v10 =	vmin.f32 v10, v39;
	v19 =	vmul.f32 v32, v21  }
0x5f: {  	v11 =	vmin.f32 v11, v35;
	v28 =	vsub.f32 v37, v36;
	v14 =	vmin.f32 v14, v31  }
0x60: {  	v10 =	vmul.f32 v10, v10;
	v11 =	vmul.f32 v11, v11;
	v19 =	vadd.f32 $-1.386274700e-03, v19  }
0x61: {  	v13 =	vmin.f32 v24, v38;
	v16 =	vmul.f32 v16, v33;
	v14 =	vmul.f32 v14, v14  }
0x62: {  	v40 =	vunpack.i.u.bf16.f32 v9;
	v13 =	vmul.f32 v13, v13;
	v19 =	vmul.f32 v19, v21  }
0x63: {  	v24 =	vsub.f32 v40, v41;
	v43 =	vmul.f32 $2.219395010e-07, v10;
	v28 =	vand.u32 $0x7FFFFFFF, v28  }
0x64: {  	v50 =	vmul.f32 $2.219395010e-07, v11;
	v42 =	vmul.f32 $2.219395010e-07, v13;
	v19 =	vadd.f32 $4.166103150e-02, v19  }
0x65: {  	v16 =	vadd.f32 $-1.386274700e-03, v16;
	v47 =	vmul.f32 $2.219395010e-07, v14;
	v49 =	vsub.f32 $6.283185480e+00, v28  }
0x66: {  	v24 =	vand.u32 $0x7FFFFFFF, v24;
	v25 =	vsub.f32 $2.425319330e-05, v42;
	v19 =	vmul.f32 v19, v21  }
0x67: {  	v51 =	vsub.f32 $2.425319330e-05, v50;
	v44 =	vsub.f32 $6.283185480e+00, v24;
	v16 =	vmul.f32 v16, v33  }
0x68: {  	v28 =	vmin.f32 v28, v49;
	v45 =	vmul.f32 v25, v13;
	v19 =	vadd.f32 $-4.999955890e-01, v19  }
0x69: {  	v46 =	vsub.f32 $2.425319330e-05, v43;
	v28 =	vmul.f32 v28, v28;
	v17 =	vmul.f32 v51, v11  }
0x6a: {  	v24 =	vmin.f32 v24, v44;
	v19 =	vmul.f32 v19, v21;
	v21 =	vadd.f32 $-1.386274700e-03, v45  }
0x6b: {  	v16 =	vadd.f32 $4.166103150e-02, v16;
	v24 =	vmul.f32 v24, v24;
	v25 =	vmul.f32 v46, v10  }
0x6c: {  	v54 =	vunpack.i.l.bf16.f32 v22;
	v53 =	vmul.f32 $2.219395010e-07, v28;
	v21 =	vmul.f32 v21, v13  }
0x6d: {  	v17 =	vadd.f32 $-1.386274700e-03, v17;
	v16 =	vmul.f32 v16, v33;
	v19 =	vadd.f32 $9.999994630e-01, v19  }
0x6e: {  	v48 =	vmul.f32 $2.219395010e-07, v24;
	v25 =	vadd.f32 $-1.386274700e-03, v25;
	v21 =	vadd.f32 $4.166103150e-02, v21  }
0x6f: {  	v17 =	vmul.f32 v17, v11;
	v19 =	vmul.f32 v19, v20;
	v20 =	vsub.f32 $2.425319330e-05, v47  }
0x70: {  	v55 =	vsub.f32 $2.425319330e-05, v53;
	v25 =	vmul.f32 v25, v10;
	v21 =	vmul.f32 v21, v13  }
0x71: {  	v16 =	vadd.f32 $-4.999955890e-01, v16;
	v29 =	vsub.f32 $2.425319330e-05, v48;
	v20 =	vmul.f32 v20, v14  }
0x72: {  	v22 =	vmul.f32 v55, v28;
	v25 =	vadd.f32 $4.166103150e-02, v25;
	v21 =	vadd.f32 $-4.999955890e-01, v21  }
0x73: {  	v16 =	vmul.f32 v16, v33;
	v29 =	vmul.f32 v29, v24;
	v20 =	vadd.f32 $-1.386274700e-03, v20  }
0x74: {  	v17 =	vadd.f32 $4.166103150e-02, v17;
	v56 =	vmul.f32 v25, v10;
	v13 =	vmul.f32 v21, v13  }
0x75: {  	v58 =	vadd.f32 $-1.386274700e-03, v22;
	v29 =	vadd.f32 $-1.386274700e-03, v29;
	v20 =	vmul.f32 v20, v14  }
0x76: {  	v17 =	vmul.f32 v17, v11;
	v23 =	vadd.f32 $-4.999955890e-01, v56;
	v13 =	vadd.f32 $9.999994630e-01, v13  }
0x77: {  	v16 =	vadd.f32 $9.999994630e-01, v16;
	v52 =	vmul.f32 v29, v24;
	v20 =	vadd.f32 $4.166103150e-02, v20  }
0x78: {  	v17 =	vadd.f32 $-4.999955890e-01, v17;
	v10 =	vmul.f32 v23, v10;
	v13 =	vmul.f32 v13, v15  }
0x79: {  	v4 =	vadd.f32 v19, v4;
	v59 =	vmul.f32 v20, v14;
	v15 =	vmul.f32 v58, v28  }
0x7a: {  	v12 =	vmul.f32 v16, v12;
	v57 =	vadd.f32 $4.166103150e-02, v52;
	v10 =	vadd.f32 $9.999994630e-01, v10  }
0x7b: {  	v11 =	vmul.f32 v17, v11;
	v19 =	vadd.f32 $-4.999955890e-01, v59;
	v15 =	vadd.f32 $4.166103150e-02, v15  }
0x7c: {  	v25 =	vmul.f32 v57, v24;
	v8 =	vmul.f32 v10, v8;
	v10 =	vadd.f32 v12, v4  }
0x7d: {  	v11 =	vadd.f32 $9.999994630e-01, v11;
	v14 =	vmul.f32 v19, v14;
	v62 =	vmul.f32 v15, v28  }
0x7e: {  	v5 =	vmul.f32 v5, v18;
	v60 =	vadd.f32 $-4.999955890e-01, v25;
	v10 =	vadd.f32 v13, v10  }
0x7f: {  	v26 =	vunpack.i.l.bf16.f32 v26;
	v14 =	vadd.f32 $9.999994630e-01, v14;
	v12 =	vadd.f32 $-4.999955890e-01, v62  }
0x80: {  	v7 =	vunpack.i.l.bf16.f32 v7;
	v5 =	vmul.f32 v11, v5;
	v61 =	vmul.f32 v60, v24  }
0x81: {  	v8 =	vadd.f32 v8, v10;
	v63 =	vmul.f32 v14, v6;
	v10 =	vmul.f32 v12, v28  }
0x82: {  	v4 =	vadd.f32 $9.999994630e-01, v61;
	v6 =	vmul.f32 v54, v7;
	v7 =	vunpack.i.l.bf16.f32 v9  }
0x83: {  	s30 =	simm.s32 $0xF;
	v7 =	vmul.f32 v26, v7;
	v9 =	vadd.f32 v63, v8;
	v10 =	vadd.f32 $9.999994630e-01, v10  }
.LBB2_4:
0x84: {  	s1 =	sadd.s32 $0xFFFFFFF9, s30  }
0x85: {  	s0 =	sadd.s32 $0xFFFFFFFA, s30;
	s12 =	sadd.s32 $0xFFFFFFFD, s30;
	v8 =	vadd.s32 s30, v1;
	v11 =	vadd.s32 s30, v2;
	v4 =	vmul.f32 v4, v7;
	s14 =	smov.u32 s30  }
0x86: {  	v12 =	vadd.s32 s1, v1;
	v13 =	vadd.s32 s1, v2;
	s22 =	sadd.s32 $0xFFFFFFFE, s14;
	s31 =	sadd.s32 $0xFFFFFFFF, s14;
	v7 =	vand.u32 $0x7F, v8;
	s1 =	sadd.s32 $0x8, s30  }
0x87: {  	p0 =	sne.s32 s30, $0x1F;
	v6 =	vmul.f32 v10, v6;
	v14 =	vand.u32 $0xFFFFFF80, v12;
	v15 =	vand.u32 $0xFFFFFF80, v13  }
0x88: {  	v5 =	vadd.f32 v5, v9;
	v13 =	vand.u32 $0x7F, v13;
	v10 =	vadd.s32 v3, v14  }
0x89: {  	s30 =	sadd.s32 $0xFFFFFFFB, s14;
	v9 =	vand.u32 $0x7F, v12;
	v12 =	vadd.s32 v3, v15;
	v14 =	vadd.s32 s0, v2  }
0x8a: {  	v16 =	vadd.s32 s30, v1;
	v5 =	vadd.f32 v6, v5;
	v15 =	vand.u32 $0x7F, v14  }
0x8b: {  	v17 =	vadd.s32 s30, v2;
	v18 =	vadd.s32 s22, v2;
	v6 =	vand.u32 $0xFFFFFF80, v16  }
0x8c: {  	v19 =	vadd.s32 s0, v1;
	v20 =	vand.u32 $0x7F, v18;
	v6 =	vadd.s32 v3, v6  }
0x8d: {  	s0 =	sadd.s32 $0xFFFFFFFC, s14;
	v9 =	vor.u32 v9, v10;
	v10 =	vand.u32 $0x7F, v16;
	v16 =	vand.u32 $0xFFFFFF80, v18  }
0x8e: {  	v18 =	vand.u32 $0xFFFFFF80, v19;
	v21 =	vadd.s32 s0, v1;
	v16 =	vadd.s32 v3, v16  }
0x8f: {  	v19 =	vand.u32 $0x7F, v19;
	v18 =	vadd.s32 v3, v18;
	v4 =	vadd.f32 v4, v5  }
0x90: {  	v5 =	vor.u32 v19, v18;
	v18 =	vadd.s32 s0, v2;
	v19 =	vadd.s32 s12, v1  }
0x91: {  	v24 =	vadd.s32 s12, v2;
	v22 =	vand.u32 $0x7F, v21;
	v23 =	vand.u32 $0xFFFFFF80, v18  }
0x92: {  	v14 =	vand.u32 $0xFFFFFF80, v14;
	v18 =	vand.u32 $0x7F, v18;
	v23 =	vadd.s32 v3, v23  }
0x93: {  	v12 =	vor.u32 v13, v12;
	v13 =	vor.u32 v18, v23;
	v18 =	vadd.s32 s22, v1  }
0x94: {  	v23 =	vld.idx.msk [tilespmem:v9+s16+$0x0], $0xffff;
	v9 =	vadd.s32 v3, v14;
	v14 =	vand.u32 $0xFFFFFF80, v18;
	v18 =	vand.u32 $0x7F, v18  }
0x95: {  	v25 =	vld.idx.msk [tilespmem:v5+s16+$0x0], $0xffff;
	v5 =	vor.u32 v10, v6;
	v6 =	vand.u32 $0xFFFFFF80, v17;
	v10 =	vadd.s32 v3, v14  }
0x96: {  	v14 =	vand.u32 $0x7F, v17;
	v17 =	vand.u32 $0xFFFFFF80, v21;
	v10 =	vor.u32 v18, v10  }
0x97: {  	v15 =	vor.u32 v15, v9;
	v9 =	vand.u32 $0xFFFFFF80, v19;
	v18 =	vand.u32 $0x7F, v19  }
0x98: {  	v19 =	vadd.s32 v3, v6;
	v9 =	vadd.s32 v3, v9;
	v6 =	vld.idx.msk [tilespmem:v13+s17+$0x0], $0xffff;
	v13 =	vor.u32 v20, v16  }
0x99: {  	v16 =	vor.u32 v18, v9;
	v18 =	vand.u32 $0xFFFFFF80, v24;
	v20 =	vand.u32 $0x7F, v24;
	v12 =	vld.idx.msk [tilespmem:v12+s17+$0x0], $0xffff  }
0x9a: {  	v21 =	vadd.s32 s31, v2;
	v9 =	vld.idx.msk [tilespmem:v5+s16+$0x0], $0xffff;
	v5 =	vadd.s32 v3, v18;
	v18 =	vadd.s32 s31, v1  }
0x9b: {  	v24 =	vunpack.i.l.bf16.f32 v23;
	v20 =	vor.u32 v20, v5;
	v5 =	vand.u32 $0xFFFFFF80, v18  }
0x9c: {  	v27 =	vand.u32 $0x7F, v11;
	v23 =	vunpack.i.u.bf16.f32 v23;
	v26 =	vunpack.i.u.bf16.f32 v25;
	v15 =	vld.idx.msk [tilespmem:v15+s17+$0x0], $0xffff  }
0x9d: {  	v17 =	vadd.s32 v3, v17;
	v29 =	vand.u32 $0xFFFFFF80, v21;
	v28 =	vadd.s32 v3, v5  }
0x9e: {  	v11 =	vand.u32 $0xFFFFFF80, v11;
	v5 =	vld.idx.msk [tilespmem:v13+s17+$0x0], $0xffff;
	v13 =	vand.u32 $0x7F, v18;
	v18 =	vadd.s32 v3, v29  }
0x9f: {  	v21 =	vand.u32 $0x7F, v21;
	v17 =	vor.u32 v22, v17;
	v29 =	vunpack.i.u.bf16.f32 v12;
	v16 =	vld.idx.msk [tilespmem:v16+s16+$0x0], $0xffff  }
0xa0: {  	v12 =	vunpack.i.l.bf16.f32 v12;
	v22 =	vsub.f32 v23, v29;
	v23 =	vor.u32 v13, v28;
	v20 =	vld.idx.msk [tilespmem:v20+s17+$0x0], $0xffff  }
0xa1: {  	v24 =	vmul.f32 v12, v24;
	v12 =	vor.u32 v14, v19;
	v14 =	vunpack.i.u.bf16.f32 v6;
	v19 =	vld.idx.msk [tilespmem:v10+s16+$0x0], $0xffff  }
0xa2: {  	v10 =	vand.u32 $0x7FFFFFFF, v22;
	v13 =	vunpack.i.u.bf16.f32 v15;
	v22 =	vunpack.i.u.bf16.f32 v9  }
0xa3: {  	v8 =	vand.u32 $0xFFFFFF80, v8;
	v18 =	vor.u32 v21, v18;
	v28 =	vsub.f32 $6.283185480e+00, v10  }
0xa4: {  	v8 =	vadd.s32 v3, v8;
	v13 =	vsub.f32 v26, v13;
	v21 =	vunpack.i.u.bf16.f32 v5;
	v17 =	vld.idx.msk [tilespmem:v17+s16+$0x0], $0xffff  }
0xa5: {  	v11 =	vadd.s32 v3, v11;
	v10 =	vmin.f32 v10, v28;
	v26 =	vunpack.i.l.bf16.f32 v16  }
0xa6: {  	v28 =	vmul.f32 v10, v10;
	v10 =	vunpack.i.u.bf16.f32 v16;
	v16 =	vunpack.i.u.bf16.f32 v20  }
0xa7: {  	v8 =	vor.u32 v7, v8;
	v29 =	vand.u32 $0x7FFFFFFF, v13;
	v30 =	vld.idx.msk [tilespmem:v12+s17+$0x0], $0xffff;
	v12 =	vunpack.i.u.bf16.f32 v19  }
0xa8: {  	v11 =	vor.u32 v27, v11;
	v16 =	vsub.f32 v10, v16;
	v31 =	vmul.f32 $2.219395010e-07, v28  }
0xa9: {  	v27 =	vsub.f32 $6.283185480e+00, v29;
	v7 =	vunpack.i.l.bf16.f32 v20;
	v12 =	vsub.f32 v12, v21;
	v13 =	vld.idx.msk [tilespmem:v18+s17+$0x0], $0xffff  }
0xaa: {  	v7 =	vmul.f32 v7, v26;
	v18 =	vunpack.i.l.bf16.f32 v25;
	v20 =	vunpack.i.u.bf16.f32 v17;
	v10 =	vld.idx.msk [tilespmem:v23+s16+$0x0], $0xffff  }
0xab: {  	v15 =	vunpack.i.l.bf16.f32 v15;
	v21 =	vmin.f32 v29, v27;
	v14 =	vsub.f32 v20, v14  }
0xac: {  	v17 =	vunpack.i.l.bf16.f32 v17;
	v20 =	vsub.f32 $2.425319330e-05, v31;
	v23 =	vand.u32 $0x7FFFFFFF, v12;
	v8 =	vld.idx.msk [tilespmem:v8+s16+$0x0], $0xffff  }
0xad: {  	v16 =	vand.u32 $0x7FFFFFFF, v16;
	v21 =	vmul.f32 v21, v21;
	v12 =	vunpack.i.u.bf16.f32 v30;
	v11 =	vld.idx.msk [tilespmem:v11+s17+$0x0], $0xffff  }
0xae: {  	v20 =	vmul.f32 v20, v28;
	v14 =	vand.u32 $0x7FFFFFFF, v14;
	v12 =	vsub.f32 v22, v12  }
0xaf: {  	v25 =	vsub.f32 $6.283185480e+00, v23;
	v22 =	vmul.f32 $2.219395010e-07, v21;
	v26 =	vunpack.i.u.bf16.f32 v13  }
0xb0: {  	v20 =	vadd.f32 $-1.386274700e-03, v20;
	v27 =	vand.u32 $0x7FFFFFFF, v12;
	v29 =	vunpack.i.u.bf16.f32 v10  }
0xb1: {  	v12 =	vmul.f32 v15, v18;
	v18 =	vsub.f32 $6.283185480e+00, v14;
	v15 =	vsub.f32 $6.283185480e+00, v27  }
0xb2: {  	v31 =	vsub.f32 $6.283185480e+00, v16;
	v20 =	vmul.f32 v20, v28;
	v26 =	vsub.f32 v29, v26  }
0xb3: {  	v22 =	vsub.f32 $2.425319330e-05, v22;
	v15 =	vmin.f32 v27, v15;
	v27 =	vunpack.i.u.bf16.f32 v8  }
0xb4: {  	v14 =	vmin.f32 v14, v18;
	v20 =	vadd.f32 $4.166103150e-02, v20;
	v18 =	vunpack.i.u.bf16.f32 v11  }
0xb5: {  	v16 =	vmin.f32 v16, v31;
	v15 =	vmul.f32 v15, v15;
	v18 =	vsub.f32 v27, v18  }
0xb6: {  	v23 =	vmin.f32 v23, v25;
	v22 =	vmul.f32 v22, v21;
	v20 =	vmul.f32 v20, v28  }
0xb7: {  	v14 =	vmul.f32 v14, v14;
	v11 =	vunpack.i.l.bf16.f32 v11;
	v25 =	vmul.f32 $2.219395010e-07, v15  }
0xb8: {  	v22 =	vadd.f32 $-1.386274700e-03, v22;
	v18 =	vand.u32 $0x7FFFFFFF, v18;
	v20 =	vadd.f32 $-4.999955890e-01, v20  }
0xb9: {  	v27 =	vmul.f32 $2.219395010e-07, v14;
	v29 =	vsub.f32 $6.283185480e+00, v18;
	v25 =	vsub.f32 $2.425319330e-05, v25  }
0xba: {  	v19 =	vunpack.i.l.bf16.f32 v19;
	v16 =	vmul.f32 v16, v16;
	v20 =	vmul.f32 v20, v28  }
0xbb: {  	v23 =	vmul.f32 v23, v23;
	v18 =	vmin.f32 v18, v29;
	v25 =	vmul.f32 v25, v15  }
0xbc: {  	v22 =	vmul.f32 v22, v21;
	v27 =	vsub.f32 $2.425319330e-05, v27;
	v20 =	vadd.f32 $9.999994630e-01, v20  }
0xbd: {  	v28 =	vunpack.i.l.bf16.f32 v30;
	v18 =	vmul.f32 v18, v18;
	v25 =	vadd.f32 $-1.386274700e-03, v25  }
0xbe: {  	v22 =	vadd.f32 $4.166103150e-02, v22;
	v20 =	vmul.f32 v20, v24;
	v24 =	vmul.f32 $2.219395010e-07, v16  }
0xbf: {  	v26 =	vand.u32 $0x7FFFFFFF, v26;
	v29 =	vmul.f32 $2.219395010e-07, v18;
	v25 =	vmul.f32 v25, v15  }
0xc0: {  	v27 =	vmul.f32 v27, v14;
	v30 =	vsub.f32 $6.283185480e+00, v26;
	v22 =	vmul.f32 v22, v21  }
0xc1: {  	v31 =	vmul.f32 $2.219395010e-07, v23;
	v29 =	vsub.f32 $2.425319330e-05, v29;
	v24 =	vsub.f32 $2.425319330e-05, v24  }
0xc2: {  	v6 =	vunpack.i.l.bf16.f32 v6;
	v27 =	vadd.f32 $-1.386274700e-03, v27;
	v25 =	vadd.f32 $4.166103150e-02, v25  }
0xc3: {  	v9 =	vunpack.i.l.bf16.f32 v9;
	v26 =	vmin.f32 v26, v30;
	v29 =	vmul.f32 v29, v18  }
0xc4: {  	v6 =	vmul.f32 v6, v17;
	v17 =	vsub.f32 $2.425319330e-05, v31;
	v25 =	vmul.f32 v25, v15  }
0xc5: {  	v27 =	vmul.f32 v27, v14;
	v24 =	vmul.f32 v24, v16;
	v29 =	vadd.f32 $-1.386274700e-03, v29  }
0xc6: {  	v9 =	vmul.f32 v28, v9;
	v22 =	vadd.f32 $-4.999955890e-01, v22;
	v26 =	vmul.f32 v26, v26  }
0xc7: {  	v24 =	vadd.f32 $-1.386274700e-03, v24;
	v25 =	vadd.f32 $-4.999955890e-01, v25;
	v28 =	vmul.f32 v29, v18  }
0xc8: {  	v17 =	vmul.f32 v17, v23;
	v27 =	vadd.f32 $4.166103150e-02, v27;
	v29 =	vmul.f32 $2.219395010e-07, v26  }
0xc9: {  	v13 =	vunpack.i.l.bf16.f32 v13;
	v21 =	vmul.f32 v22, v21;
	v15 =	vmul.f32 v25, v15  }
0xca: {  	v22 =	vmul.f32 v27, v14;
	v25 =	vsub.f32 $2.425319330e-05, v29;
	v27 =	vadd.f32 $4.166103150e-02, v28  }
0xcb: {  	v17 =	vadd.f32 $-1.386274700e-03, v17;
	v24 =	vmul.f32 v24, v16;
	v15 =	vadd.f32 $9.999994630e-01, v15  }
0xcc: {  	v22 =	vadd.f32 $-4.999955890e-01, v22;
	v25 =	vmul.f32 v25, v26;
	v27 =	vmul.f32 v27, v18  }
0xcd: {  	v17 =	vmul.f32 v17, v23;
	v9 =	vmul.f32 v15, v9;
	v15 =	vadd.f32 $4.166103150e-02, v24  }
0xce: {  	v20 =	vadd.f32 v20, v4;
	v4 =	vmul.f32 v22, v14;
	v14 =	vadd.f32 $-1.386274700e-03, v25  }
0xcf: {  	v17 =	vadd.f32 $4.166103150e-02, v17;
	v22 =	vadd.f32 $-4.999955890e-01, v27;
	v15 =	vmul.f32 v15, v16  }
0xd0: {  	v21 =	vadd.f32 $9.999994630e-01, v21;
	v4 =	vadd.f32 $9.999994630e-01, v4;
	v14 =	vmul.f32 v14, v26  }
0xd1: {  	v17 =	vmul.f32 v17, v23;
	v18 =	vmul.f32 v22, v18;
	v15 =	vadd.f32 $-4.999955890e-01, v15  }
0xd2: {  	v12 =	vmul.f32 v21, v12;
	v21 =	vmul.f32 v4, v6;
	v6 =	vadd.f32 $4.166103150e-02, v14  }
0xd3: {  	v4 =	vadd.f32 $9.999994630e-01, v18;
	v14 =	vmul.f32 v15, v16;
	v15 =	vadd.f32 $-4.999955890e-01, v17  }
0xd4: {  	v10 =	vunpack.i.l.bf16.f32 v10;
	v12 =	vadd.f32 v12, v20;
	v16 =	vmul.f32 v6, v26  }
0xd5: {  	v6 =	vmul.f32 v13, v10;
	v14 =	vadd.f32 $9.999994630e-01, v14;
	v15 =	vmul.f32 v15, v23  }
.Ltmp0:
0xd6: {  	v5 =	vunpack.i.l.bf16.f32 v5;
	v9 =	vadd.f32 v9, v12;
	v10 =	vadd.f32 $-4.999955890e-01, v16;
	(pc) =	sbr.rel @p0 .LBB2_4-.Ltmp0, $4  }
0xd7: {  	v5 =	vmul.f32 v5, v19;
	v12 =	vmul.f32 v14, v7;
	v7 =	vadd.f32 $9.999994630e-01, v15  }
0xd8: {  	v8 =	vunpack.i.l.bf16.f32 v8;
	v9 =	vadd.f32 v21, v9;
	v10 =	vmul.f32 v10, v26  }
0xd9: {  	v5 =	vmul.f32 v7, v5;
	v7 =	vmul.f32 v11, v8  }
0xda: {  	s30 =	smov.u32 s1;
	v9 =	vadd.f32 v12, v9;
	v10 =	vadd.f32 $9.999994630e-01, v10  }
0xdb: {  	_ = 	snop  }
0xdc: {  	s28 =	sadd.s32 $0x1, s28;
	v1 =	vmul.f32 v10, v6;
	v2 =	vadd.f32 v5, v9  }
0xdd: {  	p0 =	sne.s32 s28, $0x8  }
.Ltmp1:
0xde: {  	v3 =	vmul.f32 v4, v7;
	v1 =	vadd.f32 v1, v2;
	(pc) =	sbr.rel @p0 .LBB2_3-.Ltmp1, $3  }
0xdf: {  	_ = 	snop  }
0xe0: {  	v1 =	vadd.f32 v3, v1;
	_ =	sdelay $0x1  }
0xe1: {  	[tilespmem:s29+$0x13000] =	vst v1  }
0xe2: {  	p0 =	seq.s32 s24, $0xB  }
0xe3: {  	s0 =	sadd.s32 @!p0 $0x100, s26;
	s1 =	simm.s32 @!p0 $0x80;
	s12 =	simm.s32 @!p0 $0x3000  }
0xe4: {  	[tilespmem:s12], [sflag:$0x1] =	stream.indirect.gather @!p0 [hbm4b:s3+s1], $0x80, s0, s1, $0xb8;
	[tilespmem:$0x13C00] =	vst v63  }
0xe5: {  	s0 =	sadd.s32 @!p0 $0x1900, s26;
	s12 =	simm.s32 @!p0 $0x7000  }
0xe6: {  	[tilespmem:s12], [sflag:$0x1] =	stream.indirect.gather @!p0 [hbm4b:s4+s1], $0x80, s0, s1, $0xb8;
	[tilespmem:$0x13C00] =	vst v63  }
0xe7: {  	_ =	swait.ge [sflag:s21], $0x4000  }
0xe8: {  	[sflag:s21] =	ssyncset.done $0x0  }
0xe9: {  	[sflag:s21] =	ssyncadd.s32 $0xFFFFC000  }
0xea: {  	_ =	swait.ge [sflag:s21], $0x4000  }
0xeb: {  	[sflag:s21] =	ssyncset.done $0x0  }
0xec: {  	s26 =	simm.s32 $0x0;
	[sflag:s21] =	ssyncadd.s32 $0xFFFFC000  }
.LBB2_7:
0xed: {  	s0 =	sshll.u32 s26, $0x4  }
0xee: {  	s28 =	sor.u32 s25, s0  }
0xef: {  	v1 =	vld [tilespmem:s28+$0xC00]  }
0xf0: {  	v2 =	vld [tilespmem:s28+$0x2400];
	_ =	sdelay $0x1  }
0xf1: {  	v3 =	vmov s0  }
0xf2: {  	s12 =	simm.s32 $0x7;
	s1 =	simm.s32 $0x0;
	v4 =	vimm.f32 $0.0e+00;
	v3 =	vshll.u32 v3, $0x7  }
0xf3: {  	s14 =	simm.s32 $0x1;
	v3 =	vor.u32 v0, v3;
	v6 =	vadd.s32 s12, v1;
	v5 =	vadd.s32 s1, v1  }
0xf4: {  	s22 =	simm.s32 $0x2;
	v7 =	vadd.s32 s12, v2;
	v8 =	vadd.s32 s1, v2;
	v12 =	vadd.s32 s14, v2  }
0xf5: {  	s29 =	simm.s32 $0x3;
	s30 =	simm.s32 $0x4;
	v14 =	vadd.s32 s22, v1;
	v16 =	vadd.s32 s22, v2;
	v18 =	vadd.s32 s14, v1  }
0xf6: {  	s31 =	simm.s32 $0x6;
	v20 =	vadd.s32 s29, v1;
	v38 =	vadd.s32 s29, v2;
	v21 =	vadd.s32 s30, v1  }
0xf7: {  	v24 =	vadd.s32 s30, v2;
	v47 =	vadd.s32 s31, v1;
	v25 =	vadd.s32 s31, v2  }
0xf8: {  	v9 =	vand.u32 $0xFFFFFF80, v5;
	v10 =	vand.u32 $0x7F, v6;
	v11 =	vand.u32 $0xFFFFFF80, v8  }
0xf9: {  	s12 =	simm.s32 $0x5;
	v8 =	vand.u32 $0x7F, v8;
	v5 =	vand.u32 $0x7F, v5;
	v13 =	vand.u32 $0x7F, v12  }
0xfa: {  	v15 =	vand.u32 $0xFFFFFF80, v14;
	v17 =	vadd.s32 s12, v2;
	v37 =	vand.u32 $0xFFFFFF80, v18  }
0xfb: {  	v18 =	vand.u32 $0x7F, v18;
	v22 =	vand.u32 $0x7F, v20;
	v23 =	vand.u32 $0xFFFFFF80, v38  }
0xfc: {  	v12 =	vand.u32 $0xFFFFFF80, v12;
	v39 =	vadd.s32 s12, v1;
	v41 =	vand.u32 $0xFFFFFF80, v16  }
0xfd: {  	v16 =	vand.u32 $0x7F, v16;
	v20 =	vand.u32 $0xFFFFFF80, v20;
	v43 =	vand.u32 $0xFFFFFF80, v21  }
0xfe: {  	v21 =	vand.u32 $0x7F, v21;
	v44 =	vand.u32 $0xFFFFFF80, v24;
	v46 =	vand.u32 $0x7F, v24  }
0xff: {  	v48 =	vand.u32 $0xFFFFFF80, v47;
	v28 =	vand.u32 $0x7F, v7;
	v24 =	vand.u32 $0x7F, v47  }
0x100: {  	v7 =	vand.u32 $0xFFFFFF80, v7;
	v52 =	vand.u32 $0x7F, v25;
	v9 =	vadd.s32 v3, v9  }
0x101: {  	v6 =	vand.u32 $0xFFFFFF80, v6;
	v11 =	vadd.s32 v3, v11;
	v5 =	vor.u32 v5, v9  }
0x102: {  	v15 =	vadd.s32 v3, v15;
	v12 =	vadd.s32 v3, v12;
	v8 =	vor.u32 v8, v11  }
0x103: {  	v9 =	vand.u32 $0x7F, v14;
	v14 =	vadd.s32 v3, v37;
	v12 =	vor.u32 v13, v12  }
0x104: {  	v19 =	vand.u32 $0x7F, v17;
	v17 =	vand.u32 $0xFFFFFF80, v17;
	v14 =	vor.u32 v18, v14  }
0x105: {  	v23 =	vadd.s32 v3, v23;
	v18 =	vand.u32 $0x7F, v38;
	v9 =	vor.u32 v9, v15  }
0x106: {  	v40 =	vand.u32 $0xFFFFFF80, v39;
	v20 =	vadd.s32 v3, v20;
	v11 =	vor.u32 v18, v23;
	v5 =	vld.idx.msk [tilespmem:v5+s18+$0x0], $0xffff  }
0x107: {  	v6 =	vadd.s32 v3, v6;
	v7 =	vadd.s32 v3, v7;
	v17 =	vadd.s32 v3, v17;
	v45 =	vld.idx.msk [tilespmem:v8+s19+$0x0], $0xffff  }
0x108: {  	v50 =	vor.u32 v22, v20;
	v18 =	vand.u32 $0x7F, v39;
	v23 =	vadd.s32 v3, v40;
	v12 =	vld.idx.msk [tilespmem:v12+s19+$0x0], $0xffff  }
0x109: {  	v10 =	vor.u32 v10, v6;
	v62 =	vor.u32 v28, v7;
	v18 =	vor.u32 v18, v23;
	v42 =	vld.idx.msk [tilespmem:v14+s18+$0x0], $0xffff  }
0x10a: {  	v15 =	vadd.s32 v3, v41;
	v17 =	vor.u32 v19, v17;
	v19 =	vadd.s32 v3, v44;
	v27 =	vld.idx.msk [tilespmem:v9+s18+$0x0], $0xffff  }
0x10b: {  	v14 =	vadd.s32 v3, v43;
	v8 =	vld.idx.msk [tilespmem:v11+s19+$0x0], $0xffff;
	v11 =	vor.u32 v46, v19;
	v19 =	vadd.s32 v3, v48  }
0x10c: {  	v15 =	vor.u32 v16, v15;
	v14 =	vor.u32 v21, v14;
	v19 =	vor.u32 v24, v19  }
0x10d: {  	v26 =	vunpack.i.l.bf16.f32 v5;
	v49 =	vunpack.i.u.bf16.f32 v5;
	v5 =	vand.u32 $0xFFFFFF80, v25  }
0x10e: {  	v18 =	vld.idx.msk [tilespmem:v18+s18+$0x0], $0xffff;
	v30 =	vunpack.i.u.bf16.f32 v45;
	v51 =	vunpack.i.l.bf16.f32 v45;
	v54 =	vunpack.i.u.bf16.f32 v12  }
0x10f: {  	v12 =	vunpack.i.l.bf16.f32 v12;
	v9 =	vunpack.i.u.bf16.f32 v42;
	v29 =	vadd.s32 v3, v5;
	v5 =	vld.idx.msk [tilespmem:v17+s19+$0x0], $0xffff  }
0x110: {  	v21 =	vsub.f32 v49, v30;
	v20 =	vmul.f32 v51, v26;
	v55 =	vunpack.i.u.bf16.f32 v27;
	v17 =	vld.idx.msk [tilespmem:v50+s18+$0x0], $0xffff  }
0x111: {  	v13 =	vunpack.i.l.bf16.f32 v42;
	v26 =	vld.idx.msk [tilespmem:v62+s19+$0x0], $0xffff;
	v27 =	vunpack.i.l.bf16.f32 v27;
	v53 =	vunpack.i.u.bf16.f32 v8  }
0x112: {  	v14 =	vld.idx.msk [tilespmem:v14+s18+$0x0], $0xffff;
	v22 =	vor.u32 v52, v29;
	v9 =	vsub.f32 v9, v54;
	v21 =	vand.u32 $0x7FFFFFFF, v21  }
0x113: {  	v11 =	vld.idx.msk [tilespmem:v11+s19+$0x0], $0xffff;
	v12 =	vmul.f32 v12, v13;
	v8 =	vunpack.i.l.bf16.f32 v8;
	v56 =	vsub.f32 $6.283185480e+00, v21  }
0x114: {  	v60 =	vunpack.i.u.bf16.f32 v18;
	v18 =	vunpack.i.l.bf16.f32 v18;
	v9 =	vand.u32 $0x7FFFFFFF, v9  }
0x115: {  	v15 =	vld.idx.msk [tilespmem:v15+s19+$0x0], $0xffff;
	v63 =	vsub.f32 $6.283185480e+00, v9;
	v57 =	vunpack.i.u.bf16.f32 v5;
	v21 =	vmin.f32 v21, v56  }
0x116: {  	v7 =	vld.idx.msk [tilespmem:v19+s18+$0x0], $0xffff;
	v31 =	vunpack.i.u.bf16.f32 v17;
	v17 =	vunpack.i.l.bf16.f32 v17;
	v41 =	vunpack.i.u.bf16.f32 v26  }
0x117: {  	v5 =	vunpack.i.l.bf16.f32 v5;
	v58 =	vunpack.i.l.bf16.f32 v14;
	v21 =	vmul.f32 v21, v21  }
0x118: {  	v14 =	vunpack.i.u.bf16.f32 v14;
	v59 =	vunpack.i.u.bf16.f32 v11;
	v6 =	vunpack.i.l.bf16.f32 v11  }
0x119: {  	v11 =	vsub.f32 v60, v57;
	v9 =	vmin.f32 v9, v63;
	v16 =	vsub.f32 v31, v53  }
0x11a: {  	v8 =	vmul.f32 v8, v17;
	v14 =	vsub.f32 v14, v59;
	v6 =	vmul.f32 v6, v58  }
0x11b: {  	v22 =	vld.idx.msk [tilespmem:v22+s19+$0x0], $0xffff;
	v33 =	vmul.f32 v9, v9;
	v9 =	vunpack.i.u.bf16.f32 v15;
	v37 =	vunpack.i.u.bf16.f32 v7  }
0x11c: {  	v15 =	vunpack.i.l.bf16.f32 v15;
	v61 =	vmul.f32 $2.219395010e-07, v21;
	v11 =	vand.u32 $0x7FFFFFFF, v11  }
0x11d: {  	v24 =	vsub.f32 v55, v9;
	v9 =	vld.idx.msk [tilespmem:v10+s18+$0x0], $0xffff;
	v10 =	vand.u32 $0x7FFFFFFF, v16;
	v15 =	vmul.f32 v15, v27  }
0x11e: {  	v14 =	vand.u32 $0x7FFFFFFF, v14;
	v34 =	vmul.f32 $2.219395010e-07, v33;
	v35 =	vsub.f32 $6.283185480e+00, v11  }
0x11f: {  	v39 =	vsub.f32 $6.283185480e+00, v10;
	v32 =	vsub.f32 $2.425319330e-05, v61;
	v24 =	vand.u32 $0x7FFFFFFF, v24  }
0x120: {  	v31 =	vsub.f32 $6.283185480e+00, v14;
	v36 =	vunpack.i.u.bf16.f32 v22;
	v38 =	vsub.f32 $6.283185480e+00, v24  }
0x121: {  	v16 =	vsub.f32 $2.425319330e-05, v34;
	v10 =	vmin.f32 v10, v39;
	v19 =	vmul.f32 v32, v21  }
0x122: {  	v11 =	vmin.f32 v11, v35;
	v28 =	vsub.f32 v37, v36;
	v14 =	vmin.f32 v14, v31  }
0x123: {  	v10 =	vmul.f32 v10, v10;
	v11 =	vmul.f32 v11, v11;
	v19 =	vadd.f32 $-1.386274700e-03, v19  }
0x124: {  	v13 =	vmin.f32 v24, v38;
	v16 =	vmul.f32 v16, v33;
	v14 =	vmul.f32 v14, v14  }
0x125: {  	v40 =	vunpack.i.u.bf16.f32 v9;
	v13 =	vmul.f32 v13, v13;
	v19 =	vmul.f32 v19, v21  }
0x126: {  	v24 =	vsub.f32 v40, v41;
	v43 =	vmul.f32 $2.219395010e-07, v10;
	v28 =	vand.u32 $0x7FFFFFFF, v28  }
0x127: {  	v50 =	vmul.f32 $2.219395010e-07, v11;
	v42 =	vmul.f32 $2.219395010e-07, v13;
	v19 =	vadd.f32 $4.166103150e-02, v19  }
0x128: {  	v16 =	vadd.f32 $-1.386274700e-03, v16;
	v47 =	vmul.f32 $2.219395010e-07, v14;
	v49 =	vsub.f32 $6.283185480e+00, v28  }
0x129: {  	v24 =	vand.u32 $0x7FFFFFFF, v24;
	v25 =	vsub.f32 $2.425319330e-05, v42;
	v19 =	vmul.f32 v19, v21  }
0x12a: {  	v51 =	vsub.f32 $2.425319330e-05, v50;
	v44 =	vsub.f32 $6.283185480e+00, v24;
	v16 =	vmul.f32 v16, v33  }
0x12b: {  	v28 =	vmin.f32 v28, v49;
	v45 =	vmul.f32 v25, v13;
	v19 =	vadd.f32 $-4.999955890e-01, v19  }
0x12c: {  	v46 =	vsub.f32 $2.425319330e-05, v43;
	v28 =	vmul.f32 v28, v28;
	v17 =	vmul.f32 v51, v11  }
0x12d: {  	v24 =	vmin.f32 v24, v44;
	v19 =	vmul.f32 v19, v21;
	v21 =	vadd.f32 $-1.386274700e-03, v45  }
0x12e: {  	v16 =	vadd.f32 $4.166103150e-02, v16;
	v24 =	vmul.f32 v24, v24;
	v25 =	vmul.f32 v46, v10  }
0x12f: {  	v54 =	vunpack.i.l.bf16.f32 v22;
	v53 =	vmul.f32 $2.219395010e-07, v28;
	v21 =	vmul.f32 v21, v13  }
0x130: {  	v17 =	vadd.f32 $-1.386274700e-03, v17;
	v16 =	vmul.f32 v16, v33;
	v19 =	vadd.f32 $9.999994630e-01, v19  }
0x131: {  	v48 =	vmul.f32 $2.219395010e-07, v24;
	v25 =	vadd.f32 $-1.386274700e-03, v25;
	v21 =	vadd.f32 $4.166103150e-02, v21  }
0x132: {  	v17 =	vmul.f32 v17, v11;
	v19 =	vmul.f32 v19, v20;
	v20 =	vsub.f32 $2.425319330e-05, v47  }
0x133: {  	v55 =	vsub.f32 $2.425319330e-05, v53;
	v25 =	vmul.f32 v25, v10;
	v21 =	vmul.f32 v21, v13  }
0x134: {  	v16 =	vadd.f32 $-4.999955890e-01, v16;
	v29 =	vsub.f32 $2.425319330e-05, v48;
	v20 =	vmul.f32 v20, v14  }
0x135: {  	v22 =	vmul.f32 v55, v28;
	v25 =	vadd.f32 $4.166103150e-02, v25;
	v21 =	vadd.f32 $-4.999955890e-01, v21  }
0x136: {  	v16 =	vmul.f32 v16, v33;
	v29 =	vmul.f32 v29, v24;
	v20 =	vadd.f32 $-1.386274700e-03, v20  }
0x137: {  	v17 =	vadd.f32 $4.166103150e-02, v17;
	v56 =	vmul.f32 v25, v10;
	v13 =	vmul.f32 v21, v13  }
0x138: {  	v58 =	vadd.f32 $-1.386274700e-03, v22;
	v29 =	vadd.f32 $-1.386274700e-03, v29;
	v20 =	vmul.f32 v20, v14  }
0x139: {  	v17 =	vmul.f32 v17, v11;
	v23 =	vadd.f32 $-4.999955890e-01, v56;
	v13 =	vadd.f32 $9.999994630e-01, v13  }
0x13a: {  	v16 =	vadd.f32 $9.999994630e-01, v16;
	v52 =	vmul.f32 v29, v24;
	v20 =	vadd.f32 $4.166103150e-02, v20  }
0x13b: {  	v17 =	vadd.f32 $-4.999955890e-01, v17;
	v10 =	vmul.f32 v23, v10;
	v13 =	vmul.f32 v13, v15  }
0x13c: {  	v4 =	vadd.f32 v19, v4;
	v59 =	vmul.f32 v20, v14;
	v15 =	vmul.f32 v58, v28  }
0x13d: {  	v12 =	vmul.f32 v16, v12;
	v57 =	vadd.f32 $4.166103150e-02, v52;
	v10 =	vadd.f32 $9.999994630e-01, v10  }
0x13e: {  	v11 =	vmul.f32 v17, v11;
	v19 =	vadd.f32 $-4.999955890e-01, v59;
	v15 =	vadd.f32 $4.166103150e-02, v15  }
0x13f: {  	v25 =	vmul.f32 v57, v24;
	v8 =	vmul.f32 v10, v8;
	v10 =	vadd.f32 v12, v4  }
0x140: {  	v11 =	vadd.f32 $9.999994630e-01, v11;
	v14 =	vmul.f32 v19, v14;
	v62 =	vmul.f32 v15, v28  }
0x141: {  	v5 =	vmul.f32 v5, v18;
	v60 =	vadd.f32 $-4.999955890e-01, v25;
	v10 =	vadd.f32 v13, v10  }
0x142: {  	v26 =	vunpack.i.l.bf16.f32 v26;
	v14 =	vadd.f32 $9.999994630e-01, v14;
	v12 =	vadd.f32 $-4.999955890e-01, v62  }
0x143: {  	v7 =	vunpack.i.l.bf16.f32 v7;
	v5 =	vmul.f32 v11, v5;
	v61 =	vmul.f32 v60, v24  }
0x144: {  	v8 =	vadd.f32 v8, v10;
	v63 =	vmul.f32 v14, v6;
	v10 =	vmul.f32 v12, v28  }
0x145: {  	v4 =	vadd.f32 $9.999994630e-01, v61;
	v6 =	vmul.f32 v54, v7;
	v7 =	vunpack.i.l.bf16.f32 v9  }
0x146: {  	s1 =	simm.s32 $0xF;
	v7 =	vmul.f32 v26, v7;
	v9 =	vadd.f32 v63, v8;
	v10 =	vadd.f32 $9.999994630e-01, v10  }
.LBB2_8:
0x147: {  	s0 =	sadd.s32 $0xFFFFFFF9, s1  }
0x148: {  	s12 =	sadd.s32 $0xFFFFFFFA, s1;
	s14 =	sadd.s32 $0xFFFFFFFD, s1;
	v8 =	vadd.s32 s1, v1;
	v11 =	vadd.s32 s1, v2;
	v4 =	vmul.f32 v4, v7;
	s22 =	smov.u32 s1  }
0x149: {  	s29 =	sadd.s32 $0x8, s1;
	v12 =	vadd.s32 s0, v1;
	v13 =	vadd.s32 s0, v2;
	s0 =	sadd.s32 $0xFFFFFFFE, s22;
	s30 =	sadd.s32 $0xFFFFFFFF, s22;
	v7 =	vand.u32 $0x7F, v8  }
0x14a: {  	p0 =	sne.s32 s1, $0x1F;
	v6 =	vmul.f32 v10, v6;
	v14 =	vand.u32 $0xFFFFFF80, v12;
	v15 =	vand.u32 $0xFFFFFF80, v13  }
0x14b: {  	v5 =	vadd.f32 v5, v9;
	v13 =	vand.u32 $0x7F, v13;
	v10 =	vadd.s32 v3, v14  }
0x14c: {  	s1 =	sadd.s32 $0xFFFFFFFB, s22;
	v9 =	vand.u32 $0x7F, v12;
	v12 =	vadd.s32 v3, v15;
	v14 =	vadd.s32 s12, v2  }
0x14d: {  	v16 =	vadd.s32 s1, v1;
	v5 =	vadd.f32 v6, v5;
	v15 =	vand.u32 $0x7F, v14  }
0x14e: {  	v17 =	vadd.s32 s1, v2;
	v18 =	vadd.s32 s0, v2;
	v6 =	vand.u32 $0xFFFFFF80, v16  }
0x14f: {  	v19 =	vadd.s32 s12, v1;
	v20 =	vand.u32 $0x7F, v18;
	v6 =	vadd.s32 v3, v6  }
0x150: {  	s1 =	sadd.s32 $0xFFFFFFFC, s22;
	v9 =	vor.u32 v9, v10;
	v10 =	vand.u32 $0x7F, v16;
	v16 =	vand.u32 $0xFFFFFF80, v18  }
0x151: {  	v21 =	vadd.s32 s1, v1;
	v18 =	vand.u32 $0xFFFFFF80, v19;
	v16 =	vadd.s32 v3, v16  }
0x152: {  	v19 =	vand.u32 $0x7F, v19;
	v18 =	vadd.s32 v3, v18;
	v4 =	vadd.f32 v4, v5  }
0x153: {  	v5 =	vor.u32 v19, v18;
	v18 =	vadd.s32 s1, v2;
	v19 =	vadd.s32 s14, v1  }
0x154: {  	v24 =	vadd.s32 s14, v2;
	v22 =	vand.u32 $0x7F, v21;
	v23 =	vand.u32 $0xFFFFFF80, v18  }
0x155: {  	v14 =	vand.u32 $0xFFFFFF80, v14;
	v18 =	vand.u32 $0x7F, v18;
	v23 =	vadd.s32 v3, v23  }
0x156: {  	v12 =	vor.u32 v13, v12;
	v13 =	vor.u32 v18, v23;
	v18 =	vadd.s32 s0, v1  }
0x157: {  	v23 =	vld.idx.msk [tilespmem:v9+s18+$0x0], $0xffff;
	v9 =	vadd.s32 v3, v14;
	v14 =	vand.u32 $0xFFFFFF80, v18;
	v18 =	vand.u32 $0x7F, v18  }
0x158: {  	v25 =	vld.idx.msk [tilespmem:v5+s18+$0x0], $0xffff;
	v5 =	vor.u32 v10, v6;
	v6 =	vand.u32 $0xFFFFFF80, v17;
	v10 =	vadd.s32 v3, v14  }
0x159: {  	v14 =	vand.u32 $0x7F, v17;
	v17 =	vand.u32 $0xFFFFFF80, v21;
	v10 =	vor.u32 v18, v10  }
0x15a: {  	v15 =	vor.u32 v15, v9;
	v9 =	vand.u32 $0xFFFFFF80, v19;
	v18 =	vand.u32 $0x7F, v19  }
0x15b: {  	v19 =	vadd.s32 v3, v6;
	v9 =	vadd.s32 v3, v9;
	v6 =	vld.idx.msk [tilespmem:v13+s19+$0x0], $0xffff;
	v13 =	vor.u32 v20, v16  }
0x15c: {  	v16 =	vor.u32 v18, v9;
	v18 =	vand.u32 $0xFFFFFF80, v24;
	v20 =	vand.u32 $0x7F, v24;
	v12 =	vld.idx.msk [tilespmem:v12+s19+$0x0], $0xffff  }
0x15d: {  	v21 =	vadd.s32 s30, v2;
	v9 =	vld.idx.msk [tilespmem:v5+s18+$0x0], $0xffff;
	v5 =	vadd.s32 v3, v18;
	v18 =	vadd.s32 s30, v1  }
0x15e: {  	v24 =	vunpack.i.l.bf16.f32 v23;
	v20 =	vor.u32 v20, v5;
	v5 =	vand.u32 $0xFFFFFF80, v18  }
0x15f: {  	v27 =	vand.u32 $0x7F, v11;
	v23 =	vunpack.i.u.bf16.f32 v23;
	v26 =	vunpack.i.u.bf16.f32 v25;
	v15 =	vld.idx.msk [tilespmem:v15+s19+$0x0], $0xffff  }
0x160: {  	v17 =	vadd.s32 v3, v17;
	v29 =	vand.u32 $0xFFFFFF80, v21;
	v28 =	vadd.s32 v3, v5  }
0x161: {  	v11 =	vand.u32 $0xFFFFFF80, v11;
	v5 =	vld.idx.msk [tilespmem:v13+s19+$0x0], $0xffff;
	v13 =	vand.u32 $0x7F, v18;
	v18 =	vadd.s32 v3, v29  }
0x162: {  	v21 =	vand.u32 $0x7F, v21;
	v17 =	vor.u32 v22, v17;
	v29 =	vunpack.i.u.bf16.f32 v12;
	v16 =	vld.idx.msk [tilespmem:v16+s18+$0x0], $0xffff  }
0x163: {  	v12 =	vunpack.i.l.bf16.f32 v12;
	v22 =	vsub.f32 v23, v29;
	v23 =	vor.u32 v13, v28;
	v20 =	vld.idx.msk [tilespmem:v20+s19+$0x0], $0xffff  }
0x164: {  	v24 =	vmul.f32 v12, v24;
	v12 =	vor.u32 v14, v19;
	v14 =	vunpack.i.u.bf16.f32 v6;
	v19 =	vld.idx.msk [tilespmem:v10+s18+$0x0], $0xffff  }
0x165: {  	v10 =	vand.u32 $0x7FFFFFFF, v22;
	v13 =	vunpack.i.u.bf16.f32 v15;
	v22 =	vunpack.i.u.bf16.f32 v9  }
0x166: {  	v8 =	vand.u32 $0xFFFFFF80, v8;
	v18 =	vor.u32 v21, v18;
	v28 =	vsub.f32 $6.283185480e+00, v10  }
0x167: {  	v8 =	vadd.s32 v3, v8;
	v13 =	vsub.f32 v26, v13;
	v21 =	vunpack.i.u.bf16.f32 v5;
	v17 =	vld.idx.msk [tilespmem:v17+s18+$0x0], $0xffff  }
0x168: {  	v11 =	vadd.s32 v3, v11;
	v10 =	vmin.f32 v10, v28;
	v26 =	vunpack.i.l.bf16.f32 v16  }
0x169: {  	v28 =	vmul.f32 v10, v10;
	v10 =	vunpack.i.u.bf16.f32 v16;
	v16 =	vunpack.i.u.bf16.f32 v20  }
0x16a: {  	v8 =	vor.u32 v7, v8;
	v29 =	vand.u32 $0x7FFFFFFF, v13;
	v30 =	vld.idx.msk [tilespmem:v12+s19+$0x0], $0xffff;
	v12 =	vunpack.i.u.bf16.f32 v19  }
0x16b: {  	v11 =	vor.u32 v27, v11;
	v16 =	vsub.f32 v10, v16;
	v31 =	vmul.f32 $2.219395010e-07, v28  }
0x16c: {  	v27 =	vsub.f32 $6.283185480e+00, v29;
	v7 =	vunpack.i.l.bf16.f32 v20;
	v12 =	vsub.f32 v12, v21;
	v13 =	vld.idx.msk [tilespmem:v18+s19+$0x0], $0xffff  }
0x16d: {  	v7 =	vmul.f32 v7, v26;
	v18 =	vunpack.i.l.bf16.f32 v25;
	v20 =	vunpack.i.u.bf16.f32 v17;
	v10 =	vld.idx.msk [tilespmem:v23+s18+$0x0], $0xffff  }
0x16e: {  	v15 =	vunpack.i.l.bf16.f32 v15;
	v21 =	vmin.f32 v29, v27;
	v14 =	vsub.f32 v20, v14  }
0x16f: {  	v17 =	vunpack.i.l.bf16.f32 v17;
	v20 =	vsub.f32 $2.425319330e-05, v31;
	v23 =	vand.u32 $0x7FFFFFFF, v12;
	v8 =	vld.idx.msk [tilespmem:v8+s18+$0x0], $0xffff  }
0x170: {  	v16 =	vand.u32 $0x7FFFFFFF, v16;
	v21 =	vmul.f32 v21, v21;
	v12 =	vunpack.i.u.bf16.f32 v30;
	v11 =	vld.idx.msk [tilespmem:v11+s19+$0x0], $0xffff  }
0x171: {  	v20 =	vmul.f32 v20, v28;
	v14 =	vand.u32 $0x7FFFFFFF, v14;
	v12 =	vsub.f32 v22, v12  }
0x172: {  	v25 =	vsub.f32 $6.283185480e+00, v23;
	v22 =	vmul.f32 $2.219395010e-07, v21;
	v26 =	vunpack.i.u.bf16.f32 v13  }
0x173: {  	v20 =	vadd.f32 $-1.386274700e-03, v20;
	v27 =	vand.u32 $0x7FFFFFFF, v12;
	v29 =	vunpack.i.u.bf16.f32 v10  }
0x174: {  	v12 =	vmul.f32 v15, v18;
	v18 =	vsub.f32 $6.283185480e+00, v14;
	v15 =	vsub.f32 $6.283185480e+00, v27  }
0x175: {  	v31 =	vsub.f32 $6.283185480e+00, v16;
	v20 =	vmul.f32 v20, v28;
	v26 =	vsub.f32 v29, v26  }
0x176: {  	v22 =	vsub.f32 $2.425319330e-05, v22;
	v15 =	vmin.f32 v27, v15;
	v27 =	vunpack.i.u.bf16.f32 v8  }
0x177: {  	v14 =	vmin.f32 v14, v18;
	v20 =	vadd.f32 $4.166103150e-02, v20;
	v18 =	vunpack.i.u.bf16.f32 v11  }
0x178: {  	v16 =	vmin.f32 v16, v31;
	v15 =	vmul.f32 v15, v15;
	v18 =	vsub.f32 v27, v18  }
0x179: {  	v23 =	vmin.f32 v23, v25;
	v22 =	vmul.f32 v22, v21;
	v20 =	vmul.f32 v20, v28  }
0x17a: {  	v14 =	vmul.f32 v14, v14;
	v11 =	vunpack.i.l.bf16.f32 v11;
	v25 =	vmul.f32 $2.219395010e-07, v15  }
0x17b: {  	v22 =	vadd.f32 $-1.386274700e-03, v22;
	v18 =	vand.u32 $0x7FFFFFFF, v18;
	v20 =	vadd.f32 $-4.999955890e-01, v20  }
0x17c: {  	v27 =	vmul.f32 $2.219395010e-07, v14;
	v29 =	vsub.f32 $6.283185480e+00, v18;
	v25 =	vsub.f32 $2.425319330e-05, v25  }
0x17d: {  	v19 =	vunpack.i.l.bf16.f32 v19;
	v16 =	vmul.f32 v16, v16;
	v20 =	vmul.f32 v20, v28  }
0x17e: {  	v23 =	vmul.f32 v23, v23;
	v18 =	vmin.f32 v18, v29;
	v25 =	vmul.f32 v25, v15  }
0x17f: {  	v22 =	vmul.f32 v22, v21;
	v27 =	vsub.f32 $2.425319330e-05, v27;
	v20 =	vadd.f32 $9.999994630e-01, v20  }
0x180: {  	v28 =	vunpack.i.l.bf16.f32 v30;
	v18 =	vmul.f32 v18, v18;
	v25 =	vadd.f32 $-1.386274700e-03, v25  }
0x181: {  	v22 =	vadd.f32 $4.166103150e-02, v22;
	v20 =	vmul.f32 v20, v24;
	v24 =	vmul.f32 $2.219395010e-07, v16  }
0x182: {  	v26 =	vand.u32 $0x7FFFFFFF, v26;
	v29 =	vmul.f32 $2.219395010e-07, v18;
	v25 =	vmul.f32 v25, v15  }
0x183: {  	v27 =	vmul.f32 v27, v14;
	v30 =	vsub.f32 $6.283185480e+00, v26;
	v22 =	vmul.f32 v22, v21  }
0x184: {  	v31 =	vmul.f32 $2.219395010e-07, v23;
	v29 =	vsub.f32 $2.425319330e-05, v29;
	v24 =	vsub.f32 $2.425319330e-05, v24  }
0x185: {  	v6 =	vunpack.i.l.bf16.f32 v6;
	v27 =	vadd.f32 $-1.386274700e-03, v27;
	v25 =	vadd.f32 $4.166103150e-02, v25  }
0x186: {  	v9 =	vunpack.i.l.bf16.f32 v9;
	v26 =	vmin.f32 v26, v30;
	v29 =	vmul.f32 v29, v18  }
0x187: {  	v6 =	vmul.f32 v6, v17;
	v17 =	vsub.f32 $2.425319330e-05, v31;
	v25 =	vmul.f32 v25, v15  }
0x188: {  	v27 =	vmul.f32 v27, v14;
	v24 =	vmul.f32 v24, v16;
	v29 =	vadd.f32 $-1.386274700e-03, v29  }
0x189: {  	v9 =	vmul.f32 v28, v9;
	v22 =	vadd.f32 $-4.999955890e-01, v22;
	v26 =	vmul.f32 v26, v26  }
0x18a: {  	v24 =	vadd.f32 $-1.386274700e-03, v24;
	v25 =	vadd.f32 $-4.999955890e-01, v25;
	v28 =	vmul.f32 v29, v18  }
0x18b: {  	v17 =	vmul.f32 v17, v23;
	v27 =	vadd.f32 $4.166103150e-02, v27;
	v29 =	vmul.f32 $2.219395010e-07, v26  }
0x18c: {  	v13 =	vunpack.i.l.bf16.f32 v13;
	v21 =	vmul.f32 v22, v21;
	v15 =	vmul.f32 v25, v15  }
0x18d: {  	v22 =	vmul.f32 v27, v14;
	v25 =	vsub.f32 $2.425319330e-05, v29;
	v27 =	vadd.f32 $4.166103150e-02, v28  }
0x18e: {  	v17 =	vadd.f32 $-1.386274700e-03, v17;
	v24 =	vmul.f32 v24, v16;
	v15 =	vadd.f32 $9.999994630e-01, v15  }
0x18f: {  	v22 =	vadd.f32 $-4.999955890e-01, v22;
	v25 =	vmul.f32 v25, v26;
	v27 =	vmul.f32 v27, v18  }
0x190: {  	v17 =	vmul.f32 v17, v23;
	v9 =	vmul.f32 v15, v9;
	v15 =	vadd.f32 $4.166103150e-02, v24  }
0x191: {  	v20 =	vadd.f32 v20, v4;
	v4 =	vmul.f32 v22, v14;
	v14 =	vadd.f32 $-1.386274700e-03, v25  }
0x192: {  	v17 =	vadd.f32 $4.166103150e-02, v17;
	v22 =	vadd.f32 $-4.999955890e-01, v27;
	v15 =	vmul.f32 v15, v16  }
0x193: {  	v21 =	vadd.f32 $9.999994630e-01, v21;
	v4 =	vadd.f32 $9.999994630e-01, v4;
	v14 =	vmul.f32 v14, v26  }
0x194: {  	v17 =	vmul.f32 v17, v23;
	v18 =	vmul.f32 v22, v18;
	v15 =	vadd.f32 $-4.999955890e-01, v15  }
0x195: {  	v12 =	vmul.f32 v21, v12;
	v21 =	vmul.f32 v4, v6;
	v6 =	vadd.f32 $4.166103150e-02, v14  }
0x196: {  	v4 =	vadd.f32 $9.999994630e-01, v18;
	v14 =	vmul.f32 v15, v16;
	v15 =	vadd.f32 $-4.999955890e-01, v17  }
0x197: {  	v10 =	vunpack.i.l.bf16.f32 v10;
	v12 =	vadd.f32 v12, v20;
	v16 =	vmul.f32 v6, v26  }
0x198: {  	v6 =	vmul.f32 v13, v10;
	v14 =	vadd.f32 $9.999994630e-01, v14;
	v15 =	vmul.f32 v15, v23  }
.Ltmp2:
0x199: {  	v5 =	vunpack.i.l.bf16.f32 v5;
	v9 =	vadd.f32 v9, v12;
	v10 =	vadd.f32 $-4.999955890e-01, v16;
	(pc) =	sbr.rel @p0 .LBB2_8-.Ltmp2, $4  }
0x19a: {  	v5 =	vmul.f32 v5, v19;
	v12 =	vmul.f32 v14, v7;
	v7 =	vadd.f32 $9.999994630e-01, v15  }
0x19b: {  	v8 =	vunpack.i.l.bf16.f32 v8;
	v9 =	vadd.f32 v21, v9;
	v10 =	vmul.f32 v10, v26  }
0x19c: {  	v5 =	vmul.f32 v7, v5;
	v7 =	vmul.f32 v11, v8  }
0x19d: {  	s1 =	smov.u32 s29;
	v9 =	vadd.f32 v12, v9;
	v10 =	vadd.f32 $9.999994630e-01, v10  }
0x19e: {  	_ = 	snop  }
0x19f: {  	s26 =	sadd.s32 $0x1, s26;
	v1 =	vmul.f32 v10, v6;
	v2 =	vadd.f32 v5, v9  }
0x1a0: {  	p0 =	sne.s32 s26, $0x8  }
.Ltmp3:
0x1a1: {  	v3 =	vmul.f32 v4, v7;
	v1 =	vadd.f32 v1, v2;
	(pc) =	sbr.rel @p0 .LBB2_7-.Ltmp3, $3  }
0x1a2: {  	_ = 	snop  }
0x1a3: {  	v1 =	vadd.f32 v3, v1;
	_ =	sdelay $0x1  }
0x1a4: {  	[tilespmem:s28+$0x13000] =	vst v1  }
0x1a5: {  	s24 =	sadd.s32 $0x1, s24  }
0x1a6: {  	p0 =	sne.s32 s24, $0xC  }
.Ltmp4:
0x1a7: {  	_ = 	snop;
	(pc) =	sbr.rel @p0 .LBB2_2-.Ltmp4, $1  }
0x1a8: {  	_ =	sdelay $0x3  }
0x1a9: {  	s23 =	sadd.s32 $0x1, s23  }
0x1aa: {  	p0 =	sne.s32 s23, s10  }
.Ltmp5:
0x1ab: {  	s0 =	simm.s32 $0x13000;
	(pc) =	sbr.rel @p0 .LBB2_1-.Ltmp5, $4  }
0x1ac: {  	[hbm4b:s9+s2] =	stream.linear.scatter [tilespmem:s0], [sflag:$0x3], $0xC00, $0x38;
	[tilespmem:$0x13C00] =	vst v63  }
0x1ad: {  	_ =	swait.ge [sflag:s11], $0xC00  }
0x1ae: {  	[sflag:s11] =	ssyncset.done $0x0  }
0x1af: {  	[sflag:s11] =	ssyncadd.s32 $0xFFFFF400  }
0x1b0: {  	_ =	sfence.sel $0x180000  }
0x1b1: {  	[bflag:$0x0] =	sbarrier.arrive $0xFFFF  }
0x1b2: {  	_ =	strace $0x90000047  }
0x1b3: {  	s0 =	stileid.u32;
	[bflag:$0x2] =	sbarrier.arrive $0xFFFF  }
0x1b4: {  	p0 =	sne.s32 s0, $0x0;
	s0 =	rddreg [dreg:$0x1]  }
0x1b5: {  	s0 =	sadd.s32 @!p0 $0x100000, s0  }
0x1b6: {  	[sflag:s0] =	ssyncadd.tile.s32 @!p0 $0x1;
	_ =	shalt  }
.Lfunc_end2:
_tile_overlayer_lowered:
.L_overlay_start_2:
0x1b7: {  	(tag) =	ssettag $0x2  }
0x1b8: {  	s0 =	rddreg [dreg:$0x0];
	s2 =	stileid.u32  }
0x1b9: {  	s1 =	rddreg [dreg:$0x1];
	p0 =	sne.s32 s2, $0x0  }
0x1ba: {  	s3 =	rddreg [dreg:$0x2];
	[bflag:$0x3] =	sbarrier.arrive $0xFFFF;
	s2 =	simm.s32 @!p0 $0x1C03  }
0x1bb: {  	[timem:s3], [sflag:s2] =	dma.local @!p0 [hbm:s0], s1  }
0x1bc: {  	s0 =	simm.s32 @!p0 $0x3  }
0x1bd: {  	_ =	swait.ge @!p0 [sflag:s0], s1  }
0x1be: {  	s1 =	ssub.s32 @!p0 $0x0, s1;
	[sflag:s0] =	ssyncset.done @!p0 $0x0  }
0x1bf: {  	[sflag:s0] =	ssyncadd.s32 @!p0 s1  }
0x1c0: {  	[bflag:$0x3] =	sbarrier.arrive $0xFFFF  }
0x1c1: {  	_ =	shalt  }

</sc_bundles>
